<compile_context>
chip_gen: v7x
topology: tpu7x:2x2x1
jax: 0.10.2.dev20260603
libtpu: 0.0.44.dev20260713+nightly
codegen_flags: <defaults>
</compile_context>

<pallas_src>
import functools

import jax
import jax.numpy as jnp
from jax import lax
from jax.experimental import pallas as pl
from jax.experimental.pallas import tpu as pltpu
from jax.experimental.pallas import tpu_sc as plsc

_SEC_PER_YEAR = 3600.0 * 24.0 * 365.0
_SEC_PER_MONTH = 3600.0 * 24.0 * 30.0


def _transpose_pad(tT, TD):
    DE, V = tT.shape
    D = DE + TD
    BLK = 8192
    grid = (V + BLK - 1) // BLK

    def body(in_ref, out_ref):
        x = in_ref[...]
        out_ref[:, 0:DE] = jnp.transpose(x)
        out_ref[:, DE:D] = jnp.zeros((BLK, TD), jnp.float32)

    return pl.pallas_call(
        body,
        grid=(grid,),
        in_specs=[pl.BlockSpec((DE, BLK), lambda i: (0, i))],
        out_specs=pl.BlockSpec((BLK, D), lambda i: (i, 0)),
        out_shape=jax.ShapeDtypeStruct((V, D), jnp.float32),
    )(tT)


@functools.partial(jax.jit, static_argnames=("B", "L", "DE", "TD"))
def _run(table, idx, ts, W_t, b_t, B, L, DE, TD):
    info = plsc.get_sparse_core_info()
    NC, NS = info.num_cores, info.num_subcores
    NW = NC * NS
    D = DE + TD
    NB = B // NW
    NL = NB * L
    C0, C1 = 104, L - 104

    table_p = _transpose_pad(jnp.transpose(table), TD)
    wvec = jnp.concatenate([W_t[0], W_t[1], b_t])

    mesh = plsc.VectorSubcoreMesh(core_axis_name="c", subcore_axis_name="s")

    @functools.partial(
        pl.kernel,
        mesh=mesh,
        out_type=jax.ShapeDtypeStruct((B * L, D), jnp.float32),
        scratch_types=[
            pltpu.VMEM((NL,), jnp.int32),
            pltpu.VMEM((NL,), jnp.float32),
            pltpu.VMEM((2, L, D), jnp.float32),
            pltpu.VMEM((L, TD), jnp.float32),
            pltpu.VMEM((3 * TD,), jnp.float32),
            pltpu.SemaphoreType.DMA,
            pltpu.SemaphoreType.DMA,
            pltpu.SemaphoreType.DMA,
            pltpu.SemaphoreType.DMA,
        ],
        compiler_params=pltpu.CompilerParams(use_tc_tiling_on_sc=True),
    )
    def k(table_hbm, idx_hbm, ts_hbm, wvec_hbm, out_hbm,
          idx_v, ts_v, buf_v, te_v, wv, gsemA, gsemB, osemA, osemB):
        wid = lax.axis_index("s") * NC + lax.axis_index("c")
        wbase = wid * NL
        pltpu.sync_copy(wvec_hbm, wv)
        pltpu.sync_copy(idx_hbm.at[pl.ds(wbase, NL)], idx_v)
        pltpu.sync_copy(ts_hbm.at[pl.ds(wbase, NL)], ts_v)
        w1cm = wv[pl.ds(TD, TD)] * (1.0 / _SEC_PER_MONTH)
        wa = wv[pl.ds(0, TD)] * (1.0 / _SEC_PER_YEAR) + w1cm
        bt = wv[pl.ds(2 * TD, TD)]
        zero = jnp.zeros((TD,), jnp.float32)
        gsems = (gsemA, gsemB)
        osems = (osemA, osemB)

        def gathers(i, s, sem):
            off = i * L
            g0 = pltpu.async_copy(
                table_hbm.at[idx_v.at[pl.ds(off, C0)]],
                buf_v.at[s, pl.ds(0, C0)], sem)
            g1 = pltpu.async_copy(
                table_hbm.at[idx_v.at[pl.ds(off + C0, C1)]],
                buf_v.at[s, pl.ds(C0, C1)], sem)
            return g0, g1

        def out_copy(i, s, issue):
            base = wbase + i * L
            mk = pltpu.async_copy if issue else pltpu.make_async_copy
            return mk(buf_v.at[s], out_hbm.at[pl.ds(base, L)], osems[s])

        def te_compute(i, s):
            off = i * L
            t0 = ts_v[pl.ds(off, 16)][0]
            btp = bt - t0 * w1cm

            def te_body(r, carry):
                rr = r * 16
                tsv = ts_v[pl.ds(off + rr, 16)]
                for u in range(16):
                    te_v[rr + u, :] = jnp.maximum(tsv[u] * wa + btp, zero)
                return carry

            lax.fori_loop(0, L // 16, te_body, 0)
            rr = (L // 16) * 16
            tsv = ts_v[pl.ds(off + L - 16, 16)]
            for u in range(rr, L):
                te_v[u, :] = jnp.maximum(
                    tsv[u - (L - 16)] * wa + btp, zero)

        def te_blit(s):
            def blit_body(r, carry):
                rr = r * 8
                for u in range(8):
                    buf_v[s, rr + u, pl.ds(DE, TD)] = te_v[rr + u, :]
                return carry

            lax.fori_loop(0, L // 8, blit_body, 0)

        def j_body(j, carry):
            i0 = 2 * j
            i1 = i0 + 1

            @pl.when(j > 0)
            def _():
                out_copy(0, 0, issue=False).wait()

            gA0, gA1 = gathers(i0, 0, gsems[0])

            @pl.when(j > 0)
            def _():
                out_copy(0, 1, issue=False).wait()

            gB0, gB1 = gathers(i1, 1, gsems[1])
            te_compute(i0, 0)
            gA0.wait()
            gA1.wait()
            te_blit(0)
            out_copy(i0, 0, issue=True)
            te_compute(i1, 1)
            gB0.wait()
            gB1.wait()
            te_blit(1)
            out_copy(i1, 1, issue=True)
            return carry

        lax.fori_loop(0, NB // 2, j_body, 0)
        out_copy(0, 0, issue=False).wait()
        out_copy(0, 1, issue=False).wait()

    return k(table_p, idx, ts, wvec)


def kernel(indices, timestamps, table, W_t, b_t):
    B, L = indices.shape
    DE = table.shape[1]
    TD = b_t.shape[0]
    idx = indices.reshape(-1).astype(jnp.int32)
    ts = timestamps.reshape(-1)
    out = _run(table, idx, ts, W_t, b_t, B, L, DE, TD)
    return out.reshape(B, L, DE + TD)

# --- scband reference (transcript-rebuilt; emitter-appended) ---
"""Pipeline reference for scband-time-encoded-embedding-2774548873489 (READ-ONLY COPY).

The authoritative reference and input builder live on the scoring server;
editing this copy changes nothing except your own understanding.
"""

import jax, jax.numpy as jnp
import numpy as np

NUM_EMB = 100000
EMB_DIM = 128
TIME_DIM = 16
B, L = 4096, 200


def setup_inputs(seed: int = 0) -> dict:
    key = jax.random.key(seed)
    k1, k2, k3, k4, k5 = jax.random.split(key, 5)
    indices = jax.random.randint(k1, (B, L), 0, NUM_EMB, dtype=jnp.int64 if jax.config.jax_enable_x64 else jnp.int32)
    timestamps = jax.random.uniform(k2, (B, L), dtype=jnp.float32) * 1.0e8
    table = jax.random.normal(k3, (NUM_EMB, EMB_DIM - TIME_DIM), dtype=jnp.float32) * 0.02
    # torch Linear(2, time_dim): weight [time_dim, 2], bias [time_dim]; store as W [2, time_dim]
    W_t = jax.random.normal(k4, (2, TIME_DIM), dtype=jnp.float32) * (1.0 / np.sqrt(2.0))
    b_t = jax.random.normal(k5, (TIME_DIM,), dtype=jnp.float32) * 0.01
    return {"indices": indices, "timestamps": timestamps, "table": table, "W_t": W_t, "b_t": b_t}


def reference(indices, timestamps, table, W_t, b_t):
    embeddings = jnp.take(table, indices, axis=0)  # [B, L, EMB_DIM - TIME_DIM]
    first_timestamp = timestamps[:, 0:1]  # [B, 1], broadcasts over L
    relative_time = timestamps - first_timestamp
    abs_time_normalized = timestamps / (3600.0 * 24.0 * 365.0)
    rel_time_normalized = relative_time / (3600.0 * 24.0 * 30.0)
    time_features = jnp.stack([abs_time_normalized, rel_time_normalized], axis=-1)  # [B, L, 2]
    time_encoding = jnp.einsum('blf,fd->bld', time_features, W_t) + b_t
    time_encoding = jax.nn.relu(time_encoding)
    return jnp.concatenate([embeddings, time_encoding], axis=-1)  # [B, L, EMB_DIM]

if __name__ == "__main__":
    import jax
    _d = setup_inputs()
    print(jax.jit(kernel)(*tuple(_d.values())))

</pallas_src>

<mosaic_0001>
#map = affine_map<(d0, d1) -> (0, 0)>
#map1 = affine_map<(d0, d1) -> (0)>
module attributes {stable_mosaic.version = 14 : i64} {
  func.func @k(%arg0: i32, %arg1: i32, %arg2: memref<100000x128xf32, #tpu.memory_space<hbm>>, %arg3: memref<819200xi32, #tpu.memory_space<hbm>>, %arg4: memref<819200xf32, #tpu.memory_space<hbm>>, %arg5: memref<48xf32, #tpu.memory_space<hbm>>, %arg6: memref<819200x128xf32, #tpu.memory_space<hbm>>, %arg7: memref<25600xi32, #tpu.memory_space<vmem>>, %arg8: memref<25600xf32, #tpu.memory_space<vmem>>, %arg9: memref<2x200x128xf32, #tpu.memory_space<vmem>>, %arg10: memref<200x16xf32, #tpu.memory_space<vmem>>, %arg11: memref<48xf32, #tpu.memory_space<vmem>>, %arg12: memref<!tpu.dma_semaphore, #tpu.memory_space<semaphore_mem>>, %arg13: memref<!tpu.dma_semaphore, #tpu.memory_space<semaphore_mem>>, %arg14: memref<!tpu.dma_semaphore, #tpu.memory_space<semaphore_mem>>, %arg15: memref<!tpu.dma_semaphore, #tpu.memory_space<semaphore_mem>>) attributes {dimension_semantics = [#tpu.dimension_semantics<core_parallel>, #tpu.dimension_semantics<subcore_parallel>], iteration_bounds = array<i64: 2, 16>, scalar_prefetch = 0 : i64, scratch_operands = 9 : i64, tpu.core_type = #tpu.core_type<sc_vector_subcore>, window_params = [{transform_indices = #map}, {transform_indices = #map1}, {transform_indices = #map1}, {transform_indices = #map1}, {transform_indices = #map}]} {
    %mul3A = arith.constant 2 : i32
    %mul3A_0 = arith.muli %arg1, %mul3A : i32
    %add3A = arith.addi %mul3A_0, %arg0 : i32
    %mul3A_1 = arith.constant 25600 : i32
    %mul3A_2 = arith.muli %add3A, %mul3A_1 : i32
    "tpu.region"() ({
      %run_scoped3A = tpu.sem_alloc : memref<!tpu.dma_semaphore, #tpu.memory_space<semaphore_mem>>
      tpu.enqueue_dma source(%arg5 : memref<48xf32, #tpu.memory_space<hbm>>) target(%arg11 : memref<48xf32, #tpu.memory_space<vmem>>) target_semaphore(%run_scoped3A : memref<!tpu.dma_semaphore, #tpu.memory_space<semaphore_mem>>)
      tpu.wait_dma2 semaphore(%run_scoped3A : memref<!tpu.dma_semaphore, #tpu.memory_space<semaphore_mem>>) src(%arg5 : memref<48xf32, #tpu.memory_space<hbm>>) dst(%arg11 : memref<48xf32, #tpu.memory_space<vmem>>)
      tpu.yield
    }) : () -> ()
    "tpu.region"() ({
      %run_scoped3A = tpu.sem_alloc : memref<!tpu.dma_semaphore, #tpu.memory_space<semaphore_mem>>
      %dma_start3A = tpu.memref_slice %arg3[%mul3A_2] : memref<819200xi32, #tpu.memory_space<hbm>> -> memref<25600xi32, #tpu.memory_space<hbm>>
      %dma_start3A_53 = tpu.memref_slice %arg3[%mul3A_2] : memref<819200xi32, #tpu.memory_space<hbm>> -> memref<25600xi32, #tpu.memory_space<hbm>>
      tpu.enqueue_dma source(%dma_start3A_53 : memref<25600xi32, #tpu.memory_space<hbm>>) target(%arg7 : memref<25600xi32, #tpu.memory_space<vmem>>) target_semaphore(%run_scoped3A : memref<!tpu.dma_semaphore, #tpu.memory_space<semaphore_mem>>)
      %dma_wait3A_54 = tpu.memref_slice %arg3[%mul3A_2] : memref<819200xi32, #tpu.memory_space<hbm>> -> memref<25600xi32, #tpu.memory_space<hbm>>
      %dma_wait3A_55 = tpu.memref_slice %arg3[%mul3A_2] : memref<819200xi32, #tpu.memory_space<hbm>> -> memref<25600xi32, #tpu.memory_space<hbm>>
      tpu.wait_dma2 semaphore(%run_scoped3A : memref<!tpu.dma_semaphore, #tpu.memory_space<semaphore_mem>>) src(%dma_wait3A_55 : memref<25600xi32, #tpu.memory_space<hbm>>) dst(%arg7 : memref<25600xi32, #tpu.memory_space<vmem>>)
      tpu.yield
    }) : () -> ()
    "tpu.region"() ({
      %run_scoped3A = tpu.sem_alloc : memref<!tpu.dma_semaphore, #tpu.memory_space<semaphore_mem>>
      %dma_start3A = tpu.memref_slice %arg4[%mul3A_2] : memref<819200xf32, #tpu.memory_space<hbm>> -> memref<25600xf32, #tpu.memory_space<hbm>>
      %dma_start3A_53 = tpu.memref_slice %arg4[%mul3A_2] : memref<819200xf32, #tpu.memory_space<hbm>> -> memref<25600xf32, #tpu.memory_space<hbm>>
      tpu.enqueue_dma source(%dma_start3A_53 : memref<25600xf32, #tpu.memory_space<hbm>>) target(%arg8 : memref<25600xf32, #tpu.memory_space<vmem>>) target_semaphore(%run_scoped3A : memref<!tpu.dma_semaphore, #tpu.memory_space<semaphore_mem>>)
      %dma_wait3A_54 = tpu.memref_slice %arg4[%mul3A_2] : memref<819200xf32, #tpu.memory_space<hbm>> -> memref<25600xf32, #tpu.memory_space<hbm>>
      %dma_wait3A_55 = tpu.memref_slice %arg4[%mul3A_2] : memref<819200xf32, #tpu.memory_space<hbm>> -> memref<25600xf32, #tpu.memory_space<hbm>>
      tpu.wait_dma2 semaphore(%run_scoped3A : memref<!tpu.dma_semaphore, #tpu.memory_space<semaphore_mem>>) src(%dma_wait3A_55 : memref<25600xf32, #tpu.memory_space<hbm>>) dst(%arg8 : memref<25600xf32, #tpu.memory_space<vmem>>)
      tpu.yield
    }) : () -> ()
    %get3A = arith.constant 16 : index
    %get3A_3 = tpu.vector_load %arg11[%get3A] {strides = array<i32>} : memref<48xf32, #tpu.memory_space<vmem>>, vector<16xf32>,
    %get3A_4 = vector.shape_cast %get3A_3 : vector<16xf32> to vector<16xf32>
    %mul3A_5 = arith.constant 3.8580248E-7 : f32
    %mul3A_6 = vector.broadcast %mul3A_5 : f32 to vector<16xf32>
    %mul3A_7 = arith.mulf %get3A_4, %mul3A_6 : vector<16xf32>
    %get3A_8 = arith.constant 0 : index
    %get3A_9 = tpu.vector_load %arg11[%get3A_8] {strides = array<i32>} : memref<48xf32, #tpu.memory_space<vmem>>, vector<16xf32>,
    %get3A_10 = vector.shape_cast %get3A_9 : vector<16xf32> to vector<16xf32>
    %mul3A_11 = arith.constant 3.17097921E-8 : f32
    %mul3A_12 = vector.broadcast %mul3A_11 : f32 to vector<16xf32>
    %mul3A_13 = arith.mulf %get3A_10, %mul3A_12 : vector<16xf32>
    %add3A_14 = arith.addf %mul3A_13, %mul3A_7 : vector<16xf32>
    %get3A_15 = arith.constant 32 : index
    %get3A_16 = tpu.vector_load %arg11[%get3A_15] {strides = array<i32>} : memref<48xf32, #tpu.memory_space<vmem>>, vector<16xf32>,
    %get3A_17 = vector.shape_cast %get3A_16 : vector<16xf32> to vector<16xf32>
    %broadcast_in_dim3A = arith.constant 0.000000e+00 : f32
    %broadcast_in_dim3A_18 = vector.broadcast %broadcast_in_dim3A : f32 to vector<16xf32>
    %scan3A = arith.constant 0 : i32
    %scan3A_19 = arith.constant 0 : i32
    %scan3A_20 = arith.constant 64 : i32
    %scan3A_21 = arith.addi %scan3A_19, %scan3A_20 : i32
    %scan3A_22 = arith.constant 1 : i32
    scf.for %scan3A_53 = %scan3A_19 to %scan3A_21 step %scan3A_22  : i32 {
      %mul3A_54 = arith.constant 2 : i32
      %mul3A_55 = arith.muli %mul3A_54, %scan3A_53 : i32
      %add3A_56 = arith.constant 1 : i32
      %add3A_57 = arith.addi %mul3A_55, %add3A_56 : i32
      %gt3A = arith.constant 0 : i32
      %gt3A_58 = arith.cmpi sgt, %scan3A_53, %gt3A : i32
      %convert_element_type3A = arith.extui %gt3A_58 : i1 to i32
      %cond3A = arith.constant 0 : i32
      %cond3A_59 = arith.cmpi ne, %convert_element_type3A, %cond3A : i32
      scf.if %cond3A_59 {
        %add3A_421 = arith.constant 0 : i32
        %add3A_422 = arith.addi %mul3A_2, %add3A_421 : i32
        %dma_wait3A_423 = arith.constant 0 : i32
        %dma_wait3A_424 = arith.constant 0 : i32
        %dma_wait3A_425 = arith.constant 0 : i32
        %dma_wait3A_426 = tpu.memref_slice %arg9[%dma_wait3A_423, %dma_wait3A_424, %dma_wait3A_425] : memref<2x200x128xf32, #tpu.memory_space<vmem>> -> memref<1x200x128xf32, #tpu.memory_space<vmem>>
        %dma_wait3A_427 = tpu.memref_squeeze %dma_wait3A_426 : memref<1x200x128xf32, #tpu.memory_space<vmem>> -> memref<200x128xf32, #tpu.memory_space<vmem>>
        %dma_wait3A_428 = arith.constant 0 : i32
        %dma_wait3A_429 = tpu.memref_slice %arg6[%add3A_422, %dma_wait3A_428] : memref<819200x128xf32, #tpu.memory_space<hbm>> -> memref<200x128xf32, #tpu.memory_space<hbm>>
        %dma_wait3A_430 = arith.constant 0 : i32
        %dma_wait3A_431 = tpu.memref_slice %arg6[%add3A_422, %dma_wait3A_430] : memref<819200x128xf32, #tpu.memory_space<hbm>> -> memref<200x128xf32, #tpu.memory_space<hbm>>
        %dma_wait3A_432 = arith.constant 0 : i32
        %dma_wait3A_433 = arith.constant 0 : i32
        %dma_wait3A_434 = tpu.memref_slice %arg9[%dma_wait3A_423, %dma_wait3A_432, %dma_wait3A_433] : memref<2x200x128xf32, #tpu.memory_space<vmem>> -> memref<1x200x128xf32, #tpu.memory_space<vmem>>
        %dma_wait3A_435 = tpu.memref_squeeze %dma_wait3A_434 : memref<1x200x128xf32, #tpu.memory_space<vmem>> -> memref<200x128xf32, #tpu.memory_space<vmem>>
        tpu.wait_dma2 semaphore(%arg14 : memref<!tpu.dma_semaphore, #tpu.memory_space<semaphore_mem>>) src(%dma_wait3A_435 : memref<200x128xf32, #tpu.memory_space<vmem>>) dst(%dma_wait3A_431 : memref<200x128xf32, #tpu.memory_space<hbm>>)
      } else {
      }
      %mul3A_60 = arith.constant 200 : i32
      %mul3A_61 = arith.muli %mul3A_55, %mul3A_60 : i32
      %dma_start3A = arith.constant 0 : i32
      %dma_start3A_62 = arith.constant 0 : i32
      %dma_start3A_63 = arith.constant 0 : i32
      %dma_start3A_64 = tpu.memref_slice %arg9[%dma_start3A, %dma_start3A_62, %dma_start3A_63] : memref<2x200x128xf32, #tpu.memory_space<vmem>> -> memref<1x104x128xf32, #tpu.memory_space<vmem>>
      %dma_start3A_65 = tpu.memref_squeeze %dma_start3A_64 : memref<1x104x128xf32, #tpu.memory_space<vmem>> -> memref<104x128xf32, #tpu.memory_space<vmem>>
      %dma_start3A_66 = tpu.memref_slice %arg7[%mul3A_61] : memref<25600xi32, #tpu.memory_space<vmem>> -> memref<104xi32, #tpu.memory_space<vmem>>
      %dma_start3A_67 = arith.constant 0 : i32
      %dma_start3A_68 = arith.constant 0 : i32
      %dma_start3A_69 = tpu.memref_slice %arg2[%dma_start3A_67, %dma_start3A_68] : memref<100000x128xf32, #tpu.memory_space<hbm>> -> memref<100000x128xf32, #tpu.memory_space<hbm>>
      tpu.enqueue_indirect_dma source(%dma_start3A_69 : memref<100000x128xf32, #tpu.memory_space<hbm>>) target(%dma_start3A_65 : memref<104x128xf32, #tpu.memory_space<vmem>>) offsets(%dma_start3A_66 : memref<104xi32, #tpu.memory_space<vmem>>) semaphore(%arg12 : memref<!tpu.dma_semaphore, #tpu.memory_space<semaphore_mem>>)
      %add3A_70 = arith.constant 104 : i32
      %add3A_71 = arith.addi %mul3A_61, %add3A_70 : i32
      %dma_start3A_72 = arith.constant 0 : i32
      %dma_start3A_73 = arith.constant 104 : i32
      %dma_start3A_74 = arith.constant 0 : i32
      %dma_start3A_75 = tpu.memref_slice %arg9[%dma_start3A_72, %dma_start3A_73, %dma_start3A_74] : memref<2x200x128xf32, #tpu.memory_space<vmem>> -> memref<1x96x128xf32, #tpu.memory_space<vmem>>
      %dma_start3A_76 = tpu.memref_squeeze %dma_start3A_75 : memref<1x96x128xf32, #tpu.memory_space<vmem>> -> memref<96x128xf32, #tpu.memory_space<vmem>>
      %dma_start3A_77 = tpu.memref_slice %arg7[%add3A_71] : memref<25600xi32, #tpu.memory_space<vmem>> -> memref<96xi32, #tpu.memory_space<vmem>>
      %dma_start3A_78 = arith.constant 0 : i32
      %dma_start3A_79 = arith.constant 0 : i32
      %dma_start3A_80 = tpu.memref_slice %arg2[%dma_start3A_78, %dma_start3A_79] : memref<100000x128xf32, #tpu.memory_space<hbm>> -> memref<100000x128xf32, #tpu.memory_space<hbm>>
      tpu.enqueue_indirect_dma source(%dma_start3A_80 : memref<100000x128xf32, #tpu.memory_space<hbm>>) target(%dma_start3A_76 : memref<96x128xf32, #tpu.memory_space<vmem>>) offsets(%dma_start3A_77 : memref<96xi32, #tpu.memory_space<vmem>>) semaphore(%arg12 : memref<!tpu.dma_semaphore, #tpu.memory_space<semaphore_mem>>)
      %gt3A_81 = arith.constant 0 : i32
      %gt3A_82 = arith.cmpi sgt, %scan3A_53, %gt3A_81 : i32
      %convert_element_type3A_83 = arith.extui %gt3A_82 : i1 to i32
      %cond3A_84 = arith.constant 0 : i32
      %cond3A_85 = arith.cmpi ne, %convert_element_type3A_83, %cond3A_84 : i32
      scf.if %cond3A_85 {
        %add3A_421 = arith.constant 0 : i32
        %add3A_422 = arith.addi %mul3A_2, %add3A_421 : i32
        %dma_wait3A_423 = arith.constant 1 : i32
        %dma_wait3A_424 = arith.constant 0 : i32
        %dma_wait3A_425 = arith.constant 0 : i32
        %dma_wait3A_426 = tpu.memref_slice %arg9[%dma_wait3A_423, %dma_wait3A_424, %dma_wait3A_425] : memref<2x200x128xf32, #tpu.memory_space<vmem>> -> memref<1x200x128xf32, #tpu.memory_space<vmem>>
        %dma_wait3A_427 = tpu.memref_squeeze %dma_wait3A_426 : memref<1x200x128xf32, #tpu.memory_space<vmem>> -> memref<200x128xf32, #tpu.memory_space<vmem>>
        %dma_wait3A_428 = arith.constant 0 : i32
        %dma_wait3A_429 = tpu.memref_slice %arg6[%add3A_422, %dma_wait3A_428] : memref<819200x128xf32, #tpu.memory_space<hbm>> -> memref<200x128xf32, #tpu.memory_space<hbm>>
        %dma_wait3A_430 = arith.constant 0 : i32
        %dma_wait3A_431 = tpu.memref_slice %arg6[%add3A_422, %dma_wait3A_430] : memref<819200x128xf32, #tpu.memory_space<hbm>> -> memref<200x128xf32, #tpu.memory_space<hbm>>
        %dma_wait3A_432 = arith.constant 0 : i32
        %dma_wait3A_433 = arith.constant 0 : i32
        %dma_wait3A_434 = tpu.memref_slice %arg9[%dma_wait3A_423, %dma_wait3A_432, %dma_wait3A_433] : memref<2x200x128xf32, #tpu.memory_space<vmem>> -> memref<1x200x128xf32, #tpu.memory_space<vmem>>
        %dma_wait3A_435 = tpu.memref_squeeze %dma_wait3A_434 : memref<1x200x128xf32, #tpu.memory_space<vmem>> -> memref<200x128xf32, #tpu.memory_space<vmem>>
        tpu.wait_dma2 semaphore(%arg15 : memref<!tpu.dma_semaphore, #tpu.memory_space<semaphore_mem>>) src(%dma_wait3A_435 : memref<200x128xf32, #tpu.memory_space<vmem>>) dst(%dma_wait3A_431 : memref<200x128xf32, #tpu.memory_space<hbm>>)
      } else {
      }
      %mul3A_86 = arith.constant 200 : i32
      %mul3A_87 = arith.muli %add3A_57, %mul3A_86 : i32
      %dma_start3A_88 = arith.constant 1 : i32
      %dma_start3A_89 = arith.constant 0 : i32
      %dma_start3A_90 = arith.constant 0 : i32
      %dma_start3A_91 = tpu.memref_slice %arg9[%dma_start3A_88, %dma_start3A_89, %dma_start3A_90] : memref<2x200x128xf32, #tpu.memory_space<vmem>> -> memref<1x104x128xf32, #tpu.memory_space<vmem>>
      %dma_start3A_92 = tpu.memref_squeeze %dma_start3A_91 : memref<1x104x128xf32, #tpu.memory_space<vmem>> -> memref<104x128xf32, #tpu.memory_space<vmem>>
      %dma_start3A_93 = tpu.memref_slice %arg7[%mul3A_87] : memref<25600xi32, #tpu.memory_space<vmem>> -> memref<104xi32, #tpu.memory_space<vmem>>
      %dma_start3A_94 = arith.constant 0 : i32
      %dma_start3A_95 = arith.constant 0 : i32
      %dma_start3A_96 = tpu.memref_slice %arg2[%dma_start3A_94, %dma_start3A_95] : memref<100000x128xf32, #tpu.memory_space<hbm>> -> memref<100000x128xf32, #tpu.memory_space<hbm>>
      tpu.enqueue_indirect_dma source(%dma_start3A_96 : memref<100000x128xf32, #tpu.memory_space<hbm>>) target(%dma_start3A_92 : memref<104x128xf32, #tpu.memory_space<vmem>>) offsets(%dma_start3A_93 : memref<104xi32, #tpu.memory_space<vmem>>) semaphore(%arg13 : memref<!tpu.dma_semaphore, #tpu.memory_space<semaphore_mem>>)
      %add3A_97 = arith.constant 104 : i32
      %add3A_98 = arith.addi %mul3A_87, %add3A_97 : i32
      %dma_start3A_99 = arith.constant 1 : i32
      %dma_start3A_100 = arith.constant 104 : i32
      %dma_start3A_101 = arith.constant 0 : i32
      %dma_start3A_102 = tpu.memref_slice %arg9[%dma_start3A_99, %dma_start3A_100, %dma_start3A_101] : memref<2x200x128xf32, #tpu.memory_space<vmem>> -> memref<1x96x128xf32, #tpu.memory_space<vmem>>
      %dma_start3A_103 = tpu.memref_squeeze %dma_start3A_102 : memref<1x96x128xf32, #tpu.memory_space<vmem>> -> memref<96x128xf32, #tpu.memory_space<vmem>>
      %dma_start3A_104 = tpu.memref_slice %arg7[%add3A_98] : memref<25600xi32, #tpu.memory_space<vmem>> -> memref<96xi32, #tpu.memory_space<vmem>>
      %dma_start3A_105 = arith.constant 0 : i32
      %dma_start3A_106 = arith.constant 0 : i32
      %dma_start3A_107 = tpu.memref_slice %arg2[%dma_start3A_105, %dma_start3A_106] : memref<100000x128xf32, #tpu.memory_space<hbm>> -> memref<100000x128xf32, #tpu.memory_space<hbm>>
      tpu.enqueue_indirect_dma source(%dma_start3A_107 : memref<100000x128xf32, #tpu.memory_space<hbm>>) target(%dma_start3A_103 : memref<96x128xf32, #tpu.memory_space<vmem>>) offsets(%dma_start3A_104 : memref<96xi32, #tpu.memory_space<vmem>>) semaphore(%arg13 : memref<!tpu.dma_semaphore, #tpu.memory_space<semaphore_mem>>)
      %mul3A_108 = arith.constant 200 : i32
      %mul3A_109 = arith.muli %mul3A_55, %mul3A_108 : i32
      %get3A_110 = arith.index_cast %mul3A_109 : i32 to index
      %get3A_111 = tpu.vector_load %arg8[%get3A_110] {strides = array<i32>} : memref<25600xf32, #tpu.memory_space<vmem>>, vector<16xf32>,
      %get3A_112 = vector.shape_cast %get3A_111 : vector<16xf32> to vector<16xf32>
      %slice3A = vector.extract_strided_slice %get3A_112 {offsets = [0], sizes = [1], strides = [1]} : vector<16xf32> to vector<1xf32>
      %squeeze3A = vector.extract %slice3A[0] : f32 from vector<1xf32>
      %mul3A_113 = vector.broadcast %squeeze3A : f32 to vector<16xf32>
      %mul3A_114 = arith.mulf %mul3A_113, %mul3A_7 : vector<16xf32>
      %sub3A = arith.subf %get3A_17, %mul3A_114 : vector<16xf32>
      %scan3A_115 = arith.constant 0 : i32
      %scan3A_116 = arith.constant 0 : i32
      %scan3A_117 = arith.constant 12 : i32
      %scan3A_118 = arith.addi %scan3A_116, %scan3A_117 : i32
      %scan3A_119 = arith.constant 1 : i32
      scf.for %scan3A_421 = %scan3A_116 to %scan3A_118 step %scan3A_119  : i32 {
        %mul3A_422 = arith.constant 16 : i32
        %mul3A_423 = arith.muli %scan3A_421, %mul3A_422 : i32
        %add3A_424 = arith.addi %mul3A_109, %mul3A_423 : i32
        %get3A_425 = arith.index_cast %add3A_424 : i32 to index
        %get3A_426 = tpu.vector_load %arg8[%get3A_425] {strides = array<i32>} : memref<25600xf32, #tpu.memory_space<vmem>>, vector<16xf32>,
        %get3A_427 = vector.shape_cast %get3A_426 : vector<16xf32> to vector<16xf32>
        %slice3A_428 = vector.extract_strided_slice %get3A_427 {offsets = [0], sizes = [1], strides = [1]} : vector<16xf32> to vector<1xf32>
        %squeeze3A_429 = vector.extract %slice3A_428[0] : f32 from vector<1xf32>
        %mul3A_430 = vector.broadcast %squeeze3A_429 : f32 to vector<16xf32>
        %mul3A_431 = arith.mulf %mul3A_430, %add3A_14 : vector<16xf32>
        %add3A_432 = arith.addf %mul3A_431, %sub3A : vector<16xf32>
        %max3A_433 = arith.maximumf %add3A_432, %broadcast_in_dim3A_18 : vector<16xf32>
        %add3A_434 = arith.constant 0 : i32
        %add3A_435 = arith.addi %mul3A_423, %add3A_434 : i32
        %swap3A_436 = arith.index_cast %add3A_435 : i32 to index
        %swap3A_437 = arith.constant 0 : index
        %swap3A_438 = tpu.vector_load %arg10[%swap3A_436, %swap3A_437] {strides = array<i32>} : memref<200x16xf32, #tpu.memory_space<vmem>>, vector<1x16xf32>,
        %swap3A_439 = vector.shape_cast %swap3A_438 : vector<1x16xf32> to vector<16xf32>
        %swap3A_440 = vector.shape_cast %max3A_433 : vector<16xf32> to vector<1x16xf32>
        tpu.vector_store %arg10[%swap3A_436, %swap3A_437], %swap3A_440 {strides = array<i32>} : memref<200x16xf32, #tpu.memory_space<vmem>>, vector<1x16xf32>,
        %slice3A_441 = vector.extract_strided_slice %get3A_427 {offsets = [1], sizes = [1], strides = [1]} : vector<16xf32> to vector<1xf32>
        %squeeze3A_442 = vector.extract %slice3A_441[0] : f32 from vector<1xf32>
        %mul3A_443 = vector.broadcast %squeeze3A_442 : f32 to vector<16xf32>
        %mul3A_444 = arith.mulf %mul3A_443, %add3A_14 : vector<16xf32>
        %add3A_445 = arith.addf %mul3A_444, %sub3A : vector<16xf32>
        %max3A_446 = arith.maximumf %add3A_445, %broadcast_in_dim3A_18 : vector<16xf32>
        %add3A_447 = arith.constant 1 : i32
        %add3A_448 = arith.addi %mul3A_423, %add3A_447 : i32
        %swap3A_449 = arith.index_cast %add3A_448 : i32 to index
        %swap3A_450 = arith.constant 0 : index
        %swap3A_451 = tpu.vector_load %arg10[%swap3A_449, %swap3A_450] {strides = array<i32>} : memref<200x16xf32, #tpu.memory_space<vmem>>, vector<1x16xf32>,
        %swap3A_452 = vector.shape_cast %swap3A_451 : vector<1x16xf32> to vector<16xf32>
        %swap3A_453 = vector.shape_cast %max3A_446 : vector<16xf32> to vector<1x16xf32>
        tpu.vector_store %arg10[%swap3A_449, %swap3A_450], %swap3A_453 {strides = array<i32>} : memref<200x16xf32, #tpu.memory_space<vmem>>, vector<1x16xf32>,
        %slice3A_454 = vector.extract_strided_slice %get3A_427 {offsets = [2], sizes = [1], strides = [1]} : vector<16xf32> to vector<1xf32>
        %squeeze3A_455 = vector.extract %slice3A_454[0] : f32 from vector<1xf32>
        %mul3A_456 = vector.broadcast %squeeze3A_455 : f32 to vector<16xf32>
        %mul3A_457 = arith.mulf %mul3A_456, %add3A_14 : vector<16xf32>
        %add3A_458 = arith.addf %mul3A_457, %sub3A : vector<16xf32>
        %max3A_459 = arith.maximumf %add3A_458, %broadcast_in_dim3A_18 : vector<16xf32>
        %add3A_460 = arith.constant 2 : i32
        %add3A_461 = arith.addi %mul3A_423, %add3A_460 : i32
        %swap3A_462 = arith.index_cast %add3A_461 : i32 to index
        %swap3A_463 = arith.constant 0 : index
        %swap3A_464 = tpu.vector_load %arg10[%swap3A_462, %swap3A_463] {strides = array<i32>} : memref<200x16xf32, #tpu.memory_space<vmem>>, vector<1x16xf32>,
        %swap3A_465 = vector.shape_cast %swap3A_464 : vector<1x16xf32> to vector<16xf32>
        %swap3A_466 = vector.shape_cast %max3A_459 : vector<16xf32> to vector<1x16xf32>
        tpu.vector_store %arg10[%swap3A_462, %swap3A_463], %swap3A_466 {strides = array<i32>} : memref<200x16xf32, #tpu.memory_space<vmem>>, vector<1x16xf32>,
        %slice3A_467 = vector.extract_strided_slice %get3A_427 {offsets = [3], sizes = [1], strides = [1]} : vector<16xf32> to vector<1xf32>
        %squeeze3A_468 = vector.extract %slice3A_467[0] : f32 from vector<1xf32>
        %mul3A_469 = vector.broadcast %squeeze3A_468 : f32 to vector<16xf32>
        %mul3A_470 = arith.mulf %mul3A_469, %add3A_14 : vector<16xf32>
        %add3A_471 = arith.addf %mul3A_470, %sub3A : vector<16xf32>
        %max3A_472 = arith.maximumf %add3A_471, %broadcast_in_dim3A_18 : vector<16xf32>
        %add3A_473 = arith.constant 3 : i32
        %add3A_474 = arith.addi %mul3A_423, %add3A_473 : i32
        %swap3A_475 = arith.index_cast %add3A_474 : i32 to index
        %swap3A_476 = arith.constant 0 : index
        %swap3A_477 = tpu.vector_load %arg10[%swap3A_475, %swap3A_476] {strides = array<i32>} : memref<200x16xf32, #tpu.memory_space<vmem>>, vector<1x16xf32>,
        %swap3A_478 = vector.shape_cast %swap3A_477 : vector<1x16xf32> to vector<16xf32>
        %swap3A_479 = vector.shape_cast %max3A_472 : vector<16xf32> to vector<1x16xf32>
        tpu.vector_store %arg10[%swap3A_475, %swap3A_476], %swap3A_479 {strides = array<i32>} : memref<200x16xf32, #tpu.memory_space<vmem>>, vector<1x16xf32>,
        %slice3A_480 = vector.extract_strided_slice %get3A_427 {offsets = [4], sizes = [1], strides = [1]} : vector<16xf32> to vector<1xf32>
        %squeeze3A_481 = vector.extract %slice3A_480[0] : f32 from vector<1xf32>
        %mul3A_482 = vector.broadcast %squeeze3A_481 : f32 to vector<16xf32>
        %mul3A_483 = arith.mulf %mul3A_482, %add3A_14 : vector<16xf32>
        %add3A_484 = arith.addf %mul3A_483, %sub3A : vector<16xf32>
        %max3A_485 = arith.maximumf %add3A_484, %broadcast_in_dim3A_18 : vector<16xf32>
        %add3A_486 = arith.constant 4 : i32
        %add3A_487 = arith.addi %mul3A_423, %add3A_486 : i32
        %swap3A_488 = arith.index_cast %add3A_487 : i32 to index
        %swap3A_489 = arith.constant 0 : index
        %swap3A_490 = tpu.vector_load %arg10[%swap3A_488, %swap3A_489] {strides = array<i32>} : memref<200x16xf32, #tpu.memory_space<vmem>>, vector<1x16xf32>,
        %swap3A_491 = vector.shape_cast %swap3A_490 : vector<1x16xf32> to vector<16xf32>
        %swap3A_492 = vector.shape_cast %max3A_485 : vector<16xf32> to vector<1x16xf32>
        tpu.vector_store %arg10[%swap3A_488, %swap3A_489], %swap3A_492 {strides = array<i32>} : memref<200x16xf32, #tpu.memory_space<vmem>>, vector<1x16xf32>,
        %slice3A_493 = vector.extract_strided_slice %get3A_427 {offsets = [5], sizes = [1], strides = [1]} : vector<16xf32> to vector<1xf32>
        %squeeze3A_494 = vector.extract %slice3A_493[0] : f32 from vector<1xf32>
        %mul3A_495 = vector.broadcast %squeeze3A_494 : f32 to vector<16xf32>
        %mul3A_496 = arith.mulf %mul3A_495, %add3A_14 : vector<16xf32>
        %add3A_497 = arith.addf %mul3A_496, %sub3A : vector<16xf32>
        %max3A_498 = arith.maximumf %add3A_497, %broadcast_in_dim3A_18 : vector<16xf32>
        %add3A_499 = arith.constant 5 : i32
        %add3A_500 = arith.addi %mul3A_423, %add3A_499 : i32
        %swap3A_501 = arith.index_cast %add3A_500 : i32 to index
        %swap3A_502 = arith.constant 0 : index
        %swap3A_503 = tpu.vector_load %arg10[%swap3A_501, %swap3A_502] {strides = array<i32>} : memref<200x16xf32, #tpu.memory_space<vmem>>, vector<1x16xf32>,
        %swap3A_504 = vector.shape_cast %swap3A_503 : vector<1x16xf32> to vector<16xf32>
        %swap3A_505 = vector.shape_cast %max3A_498 : vector<16xf32> to vector<1x16xf32>
        tpu.vector_store %arg10[%swap3A_501, %swap3A_502], %swap3A_505 {strides = array<i32>} : memref<200x16xf32, #tpu.memory_space<vmem>>, vector<1x16xf32>,
        %slice3A_506 = vector.extract_strided_slice %get3A_427 {offsets = [6], sizes = [1], strides = [1]} : vector<16xf32> to vector<1xf32>
        %squeeze3A_507 = vector.extract %slice3A_506[0] : f32 from vector<1xf32>
        %mul3A_508 = vector.broadcast %squeeze3A_507 : f32 to vector<16xf32>
        %mul3A_509 = arith.mulf %mul3A_508, %add3A_14 : vector<16xf32>
        %add3A_510 = arith.addf %mul3A_509, %sub3A : vector<16xf32>
        %max3A_511 = arith.maximumf %add3A_510, %broadcast_in_dim3A_18 : vector<16xf32>
        %add3A_512 = arith.constant 6 : i32
        %add3A_513 = arith.addi %mul3A_423, %add3A_512 : i32
        %swap3A_514 = arith.index_cast %add3A_513 : i32 to index
        %swap3A_515 = arith.constant 0 : index
        %swap3A_516 = tpu.vector_load %arg10[%swap3A_514, %swap3A_515] {strides = array<i32>} : memref<200x16xf32, #tpu.memory_space<vmem>>, vector<1x16xf32>,
        %swap3A_517 = vector.shape_cast %swap3A_516 : vector<1x16xf32> to vector<16xf32>
        %swap3A_518 = vector.shape_cast %max3A_511 : vector<16xf32> to vector<1x16xf32>
        tpu.vector_store %arg10[%swap3A_514, %swap3A_515], %swap3A_518 {strides = array<i32>} : memref<200x16xf32, #tpu.memory_space<vmem>>, vector<1x16xf32>,
        %slice3A_519 = vector.extract_strided_slice %get3A_427 {offsets = [7], sizes = [1], strides = [1]} : vector<16xf32> to vector<1xf32>
        %squeeze3A_520 = vector.extract %slice3A_519[0] : f32 from vector<1xf32>
        %mul3A_521 = vector.broadcast %squeeze3A_520 : f32 to vector<16xf32>
        %mul3A_522 = arith.mulf %mul3A_521, %add3A_14 : vector<16xf32>
        %add3A_523 = arith.addf %mul3A_522, %sub3A : vector<16xf32>
        %max3A_524 = arith.maximumf %add3A_523, %broadcast_in_dim3A_18 : vector<16xf32>
        %add3A_525 = arith.constant 7 : i32
        %add3A_526 = arith.addi %mul3A_423, %add3A_525 : i32
        %swap3A_527 = arith.index_cast %add3A_526 : i32 to index
        %swap3A_528 = arith.constant 0 : index
        %swap3A_529 = tpu.vector_load %arg10[%swap3A_527, %swap3A_528] {strides = array<i32>} : memref<200x16xf32, #tpu.memory_space<vmem>>, vector<1x16xf32>,
        %swap3A_530 = vector.shape_cast %swap3A_529 : vector<1x16xf32> to vector<16xf32>
        %swap3A_531 = vector.shape_cast %max3A_524 : vector<16xf32> to vector<1x16xf32>
        tpu.vector_store %arg10[%swap3A_527, %swap3A_528], %swap3A_531 {strides = array<i32>} : memref<200x16xf32, #tpu.memory_space<vmem>>, vector<1x16xf32>,
        %slice3A_532 = vector.extract_strided_slice %get3A_427 {offsets = [8], sizes = [1], strides = [1]} : vector<16xf32> to vector<1xf32>
        %squeeze3A_533 = vector.extract %slice3A_532[0] : f32 from vector<1xf32>
        %mul3A_534 = vector.broadcast %squeeze3A_533 : f32 to vector<16xf32>
        %mul3A_535 = arith.mulf %mul3A_534, %add3A_14 : vector<16xf32>
        %add3A_536 = arith.addf %mul3A_535, %sub3A : vector<16xf32>
        %max3A_537 = arith.maximumf %add3A_536, %broadcast_in_dim3A_18 : vector<16xf32>
        %add3A_538 = arith.constant 8 : i32
        %add3A_539 = arith.addi %mul3A_423, %add3A_538 : i32
        %swap3A_540 = arith.index_cast %add3A_539 : i32 to index
        %swap3A_541 = arith.constant 0 : index
        %swap3A_542 = tpu.vector_load %arg10[%swap3A_540, %swap3A_541] {strides = array<i32>} : memref<200x16xf32, #tpu.memory_space<vmem>>, vector<1x16xf32>,
        %swap3A_543 = vector.shape_cast %swap3A_542 : vector<1x16xf32> to vector<16xf32>
        %swap3A_544 = vector.shape_cast %max3A_537 : vector<16xf32> to vector<1x16xf32>
        tpu.vector_store %arg10[%swap3A_540, %swap3A_541], %swap3A_544 {strides = array<i32>} : memref<200x16xf32, #tpu.memory_space<vmem>>, vector<1x16xf32>,
        %slice3A_545 = vector.extract_strided_slice %get3A_427 {offsets = [9], sizes = [1], strides = [1]} : vector<16xf32> to vector<1xf32>
        %squeeze3A_546 = vector.extract %slice3A_545[0] : f32 from vector<1xf32>
        %mul3A_547 = vector.broadcast %squeeze3A_546 : f32 to vector<16xf32>
        %mul3A_548 = arith.mulf %mul3A_547, %add3A_14 : vector<16xf32>
        %add3A_549 = arith.addf %mul3A_548, %sub3A : vector<16xf32>
        %max3A_550 = arith.maximumf %add3A_549, %broadcast_in_dim3A_18 : vector<16xf32>
        %add3A_551 = arith.constant 9 : i32
        %add3A_552 = arith.addi %mul3A_423, %add3A_551 : i32
        %swap3A_553 = arith.index_cast %add3A_552 : i32 to index
        %swap3A_554 = arith.constant 0 : index
        %swap3A_555 = tpu.vector_load %arg10[%swap3A_553, %swap3A_554] {strides = array<i32>} : memref<200x16xf32, #tpu.memory_space<vmem>>, vector<1x16xf32>,
        %swap3A_556 = vector.shape_cast %swap3A_555 : vector<1x16xf32> to vector<16xf32>
        %swap3A_557 = vector.shape_cast %max3A_550 : vector<16xf32> to vector<1x16xf32>
        tpu.vector_store %arg10[%swap3A_553, %swap3A_554], %swap3A_557 {strides = array<i32>} : memref<200x16xf32, #tpu.memory_space<vmem>>, vector<1x16xf32>,
        %slice3A_558 = vector.extract_strided_slice %get3A_427 {offsets = [10], sizes = [1], strides = [1]} : vector<16xf32> to vector<1xf32>
        %squeeze3A_559 = vector.extract %slice3A_558[0] : f32 from vector<1xf32>
        %mul3A_560 = vector.broadcast %squeeze3A_559 : f32 to vector<16xf32>
        %mul3A_561 = arith.mulf %mul3A_560, %add3A_14 : vector<16xf32>
        %add3A_562 = arith.addf %mul3A_561, %sub3A : vector<16xf32>
        %max3A_563 = arith.maximumf %add3A_562, %broadcast_in_dim3A_18 : vector<16xf32>
        %add3A_564 = arith.constant 10 : i32
        %add3A_565 = arith.addi %mul3A_423, %add3A_564 : i32
        %swap3A_566 = arith.index_cast %add3A_565 : i32 to index
        %swap3A_567 = arith.constant 0 : index
        %swap3A_568 = tpu.vector_load %arg10[%swap3A_566, %swap3A_567] {strides = array<i32>} : memref<200x16xf32, #tpu.memory_space<vmem>>, vector<1x16xf32>,
        %swap3A_569 = vector.shape_cast %swap3A_568 : vector<1x16xf32> to vector<16xf32>
        %swap3A_570 = vector.shape_cast %max3A_563 : vector<16xf32> to vector<1x16xf32>
        tpu.vector_store %arg10[%swap3A_566, %swap3A_567], %swap3A_570 {strides = array<i32>} : memref<200x16xf32, #tpu.memory_space<vmem>>, vector<1x16xf32>,
        %slice3A_571 = vector.extract_strided_slice %get3A_427 {offsets = [11], sizes = [1], strides = [1]} : vector<16xf32> to vector<1xf32>
        %squeeze3A_572 = vector.extract %slice3A_571[0] : f32 from vector<1xf32>
        %mul3A_573 = vector.broadcast %squeeze3A_572 : f32 to vector<16xf32>
        %mul3A_574 = arith.mulf %mul3A_573, %add3A_14 : vector<16xf32>
        %add3A_575 = arith.addf %mul3A_574, %sub3A : vector<16xf32>
        %max3A_576 = arith.maximumf %add3A_575, %broadcast_in_dim3A_18 : vector<16xf32>
        %add3A_577 = arith.constant 11 : i32
        %add3A_578 = arith.addi %mul3A_423, %add3A_577 : i32
        %swap3A_579 = arith.index_cast %add3A_578 : i32 to index
        %swap3A_580 = arith.constant 0 : index
        %swap3A_581 = tpu.vector_load %arg10[%swap3A_579, %swap3A_580] {strides = array<i32>} : memref<200x16xf32, #tpu.memory_space<vmem>>, vector<1x16xf32>,
        %swap3A_582 = vector.shape_cast %swap3A_581 : vector<1x16xf32> to vector<16xf32>
        %swap3A_583 = vector.shape_cast %max3A_576 : vector<16xf32> to vector<1x16xf32>
        tpu.vector_store %arg10[%swap3A_579, %swap3A_580], %swap3A_583 {strides = array<i32>} : memref<200x16xf32, #tpu.memory_space<vmem>>, vector<1x16xf32>,
        %slice3A_584 = vector.extract_strided_slice %get3A_427 {offsets = [12], sizes = [1], strides = [1]} : vector<16xf32> to vector<1xf32>
        %squeeze3A_585 = vector.extract %slice3A_584[0] : f32 from vector<1xf32>
        %mul3A_586 = vector.broadcast %squeeze3A_585 : f32 to vector<16xf32>
        %mul3A_587 = arith.mulf %mul3A_586, %add3A_14 : vector<16xf32>
        %add3A_588 = arith.addf %mul3A_587, %sub3A : vector<16xf32>
        %max3A_589 = arith.maximumf %add3A_588, %broadcast_in_dim3A_18 : vector<16xf32>
        %add3A_590 = arith.constant 12 : i32
        %add3A_591 = arith.addi %mul3A_423, %add3A_590 : i32
        %swap3A_592 = arith.index_cast %add3A_591 : i32 to index
        %swap3A_593 = arith.constant 0 : index
        %swap3A_594 = tpu.vector_load %arg10[%swap3A_592, %swap3A_593] {strides = array<i32>} : memref<200x16xf32, #tpu.memory_space<vmem>>, vector<1x16xf32>,
        %swap3A_595 = vector.shape_cast %swap3A_594 : vector<1x16xf32> to vector<16xf32>
        %swap3A_596 = vector.shape_cast %max3A_589 : vector<16xf32> to vector<1x16xf32>
        tpu.vector_store %arg10[%swap3A_592, %swap3A_593], %swap3A_596 {strides = array<i32>} : memref<200x16xf32, #tpu.memory_space<vmem>>, vector<1x16xf32>,
        %slice3A_597 = vector.extract_strided_slice %get3A_427 {offsets = [13], sizes = [1], strides = [1]} : vector<16xf32> to vector<1xf32>
        %squeeze3A_598 = vector.extract %slice3A_597[0] : f32 from vector<1xf32>
        %mul3A_599 = vector.broadcast %squeeze3A_598 : f32 to vector<16xf32>
        %mul3A_600 = arith.mulf %mul3A_599, %add3A_14 : vector<16xf32>
        %add3A_601 = arith.addf %mul3A_600, %sub3A : vector<16xf32>
        %max3A_602 = arith.maximumf %add3A_601, %broadcast_in_dim3A_18 : vector<16xf32>
        %add3A_603 = arith.constant 13 : i32
        %add3A_604 = arith.addi %mul3A_423, %add3A_603 : i32
        %swap3A_605 = arith.index_cast %add3A_604 : i32 to index
        %swap3A_606 = arith.constant 0 : index
        %swap3A_607 = tpu.vector_load %arg10[%swap3A_605, %swap3A_606] {strides = array<i32>} : memref<200x16xf32, #tpu.memory_space<vmem>>, vector<1x16xf32>,
        %swap3A_608 = vector.shape_cast %swap3A_607 : vector<1x16xf32> to vector<16xf32>
        %swap3A_609 = vector.shape_cast %max3A_602 : vector<16xf32> to vector<1x16xf32>
        tpu.vector_store %arg10[%swap3A_605, %swap3A_606], %swap3A_609 {strides = array<i32>} : memref<200x16xf32, #tpu.memory_space<vmem>>, vector<1x16xf32>,
        %slice3A_610 = vector.extract_strided_slice %get3A_427 {offsets = [14], sizes = [1], strides = [1]} : vector<16xf32> to vector<1xf32>
        %squeeze3A_611 = vector.extract %slice3A_610[0] : f32 from vector<1xf32>
        %mul3A_612 = vector.broadcast %squeeze3A_611 : f32 to vector<16xf32>
        %mul3A_613 = arith.mulf %mul3A_612, %add3A_14 : vector<16xf32>
        %add3A_614 = arith.addf %mul3A_613, %sub3A : vector<16xf32>
        %max3A_615 = arith.maximumf %add3A_614, %broadcast_in_dim3A_18 : vector<16xf32>
        %add3A_616 = arith.constant 14 : i32
        %add3A_617 = arith.addi %mul3A_423, %add3A_616 : i32
        %swap3A_618 = arith.index_cast %add3A_617 : i32 to index
        %swap3A_619 = arith.constant 0 : index
        %swap3A_620 = tpu.vector_load %arg10[%swap3A_618, %swap3A_619] {strides = array<i32>} : memref<200x16xf32, #tpu.memory_space<vmem>>, vector<1x16xf32>,
        %swap3A_621 = vector.shape_cast %swap3A_620 : vector<1x16xf32> to vector<16xf32>
        %swap3A_622 = vector.shape_cast %max3A_615 : vector<16xf32> to vector<1x16xf32>
        tpu.vector_store %arg10[%swap3A_618, %swap3A_619], %swap3A_622 {strides = array<i32>} : memref<200x16xf32, #tpu.memory_space<vmem>>, vector<1x16xf32>,
        %slice3A_623 = vector.extract_strided_slice %get3A_427 {offsets = [15], sizes = [1], strides = [1]} : vector<16xf32> to vector<1xf32>
        %squeeze3A_624 = vector.extract %slice3A_623[0] : f32 from vector<1xf32>
        %mul3A_625 = vector.broadcast %squeeze3A_624 : f32 to vector<16xf32>
        %mul3A_626 = arith.mulf %mul3A_625, %add3A_14 : vector<16xf32>
        %add3A_627 = arith.addf %mul3A_626, %sub3A : vector<16xf32>
        %max3A_628 = arith.maximumf %add3A_627, %broadcast_in_dim3A_18 : vector<16xf32>
        %add3A_629 = arith.constant 15 : i32
        %add3A_630 = arith.addi %mul3A_423, %add3A_629 : i32
        %swap3A_631 = arith.index_cast %add3A_630 : i32 to index
        %swap3A_632 = arith.constant 0 : index
        %swap3A_633 = tpu.vector_load %arg10[%swap3A_631, %swap3A_632] {strides = array<i32>} : memref<200x16xf32, #tpu.memory_space<vmem>>, vector<1x16xf32>,
        %swap3A_634 = vector.shape_cast %swap3A_633 : vector<1x16xf32> to vector<16xf32>
        %swap3A_635 = vector.shape_cast %max3A_628 : vector<16xf32> to vector<1x16xf32>
        tpu.vector_store %arg10[%swap3A_631, %swap3A_632], %swap3A_635 {strides = array<i32>} : memref<200x16xf32, #tpu.memory_space<vmem>>, vector<1x16xf32>,
      }
      %scan3A_120 = arith.constant 12 : i32
      %add3A_121 = arith.constant 200 : i32
      %add3A_122 = arith.addi %mul3A_109, %add3A_121 : i32
      %sub3A_123 = arith.constant 16 : i32
      %sub3A_124 = arith.subi %add3A_122, %sub3A_123 : i32
      %get3A_125 = arith.index_cast %sub3A_124 : i32 to index
      %get3A_126 = tpu.vector_load %arg8[%get3A_125] {strides = array<i32>} : memref<25600xf32, #tpu.memory_space<vmem>>, vector<16xf32>,
      %get3A_127 = vector.shape_cast %get3A_126 : vector<16xf32> to vector<16xf32>
      %slice3A_128 = vector.extract_strided_slice %get3A_127 {offsets = [8], sizes = [1], strides = [1]} : vector<16xf32> to vector<1xf32>
      %squeeze3A_129 = vector.extract %slice3A_128[0] : f32 from vector<1xf32>
      %mul3A_130 = vector.broadcast %squeeze3A_129 : f32 to vector<16xf32>
      %mul3A_131 = arith.mulf %mul3A_130, %add3A_14 : vector<16xf32>
      %add3A_132 = arith.addf %mul3A_131, %sub3A : vector<16xf32>
      %max3A = arith.maximumf %add3A_132, %broadcast_in_dim3A_18 : vector<16xf32>
      %swap3A = arith.constant 192 : i32
      %swap3A_133 = arith.index_cast %swap3A : i32 to index
      %swap3A_134 = arith.constant 0 : index
      %swap3A_135 = tpu.vector_load %arg10[%swap3A_133, %swap3A_134] {strides = array<i32>} : memref<200x16xf32, #tpu.memory_space<vmem>>, vector<1x16xf32>,
      %swap3A_136 = vector.shape_cast %swap3A_135 : vector<1x16xf32> to vector<16xf32>
      %swap3A_137 = vector.shape_cast %max3A : vector<16xf32> to vector<1x16xf32>
      tpu.vector_store %arg10[%swap3A_133, %swap3A_134], %swap3A_137 {strides = array<i32>} : memref<200x16xf32, #tpu.memory_space<vmem>>, vector<1x16xf32>,
      %slice3A_138 = vector.extract_strided_slice %get3A_127 {offsets = [9], sizes = [1], strides = [1]} : vector<16xf32> to vector<1xf32>
      %squeeze3A_139 = vector.extract %slice3A_138[0] : f32 from vector<1xf32>
      %mul3A_140 = vector.broadcast %squeeze3A_139 : f32 to vector<16xf32>
      %mul3A_141 = arith.mulf %mul3A_140, %add3A_14 : vector<16xf32>
      %add3A_142 = arith.addf %mul3A_141, %sub3A : vector<16xf32>
      %max3A_143 = arith.maximumf %add3A_142, %broadcast_in_dim3A_18 : vector<16xf32>
      %swap3A_144 = arith.constant 193 : i32
      %swap3A_145 = arith.index_cast %swap3A_144 : i32 to index
      %swap3A_146 = arith.constant 0 : index
      %swap3A_147 = tpu.vector_load %arg10[%swap3A_145, %swap3A_146] {strides = array<i32>} : memref<200x16xf32, #tpu.memory_space<vmem>>, vector<1x16xf32>,
      %swap3A_148 = vector.shape_cast %swap3A_147 : vector<1x16xf32> to vector<16xf32>
      %swap3A_149 = vector.shape_cast %max3A_143 : vector<16xf32> to vector<1x16xf32>
      tpu.vector_store %arg10[%swap3A_145, %swap3A_146], %swap3A_149 {strides = array<i32>} : memref<200x16xf32, #tpu.memory_space<vmem>>, vector<1x16xf32>,
      %slice3A_150 = vector.extract_strided_slice %get3A_127 {offsets = [10], sizes = [1], strides = [1]} : vector<16xf32> to vector<1xf32>
      %squeeze3A_151 = vector.extract %slice3A_150[0] : f32 from vector<1xf32>
      %mul3A_152 = vector.broadcast %squeeze3A_151 : f32 to vector<16xf32>
      %mul3A_153 = arith.mulf %mul3A_152, %add3A_14 : vector<16xf32>
      %add3A_154 = arith.addf %mul3A_153, %sub3A : vector<16xf32>
      %max3A_155 = arith.maximumf %add3A_154, %broadcast_in_dim3A_18 : vector<16xf32>
      %swap3A_156 = arith.constant 194 : i32
      %swap3A_157 = arith.index_cast %swap3A_156 : i32 to index
      %swap3A_158 = arith.constant 0 : index
      %swap3A_159 = tpu.vector_load %arg10[%swap3A_157, %swap3A_158] {strides = array<i32>} : memref<200x16xf32, #tpu.memory_space<vmem>>, vector<1x16xf32>,
      %swap3A_160 = vector.shape_cast %swap3A_159 : vector<1x16xf32> to vector<16xf32>
      %swap3A_161 = vector.shape_cast %max3A_155 : vector<16xf32> to vector<1x16xf32>
      tpu.vector_store %arg10[%swap3A_157, %swap3A_158], %swap3A_161 {strides = array<i32>} : memref<200x16xf32, #tpu.memory_space<vmem>>, vector<1x16xf32>,
      %slice3A_162 = vector.extract_strided_slice %get3A_127 {offsets = [11], sizes = [1], strides = [1]} : vector<16xf32> to vector<1xf32>
      %squeeze3A_163 = vector.extract %slice3A_162[0] : f32 from vector<1xf32>
      %mul3A_164 = vector.broadcast %squeeze3A_163 : f32 to vector<16xf32>
      %mul3A_165 = arith.mulf %mul3A_164, %add3A_14 : vector<16xf32>
      %add3A_166 = arith.addf %mul3A_165, %sub3A : vector<16xf32>
      %max3A_167 = arith.maximumf %add3A_166, %broadcast_in_dim3A_18 : vector<16xf32>
      %swap3A_168 = arith.constant 195 : i32
      %swap3A_169 = arith.index_cast %swap3A_168 : i32 to index
      %swap3A_170 = arith.constant 0 : index
      %swap3A_171 = tpu.vector_load %arg10[%swap3A_169, %swap3A_170] {strides = array<i32>} : memref<200x16xf32, #tpu.memory_space<vmem>>, vector<1x16xf32>,
      %swap3A_172 = vector.shape_cast %swap3A_171 : vector<1x16xf32> to vector<16xf32>
      %swap3A_173 = vector.shape_cast %max3A_167 : vector<16xf32> to vector<1x16xf32>
      tpu.vector_store %arg10[%swap3A_169, %swap3A_170], %swap3A_173 {strides = array<i32>} : memref<200x16xf32, #tpu.memory_space<vmem>>, vector<1x16xf32>,
      %slice3A_174 = vector.extract_strided_slice %get3A_127 {offsets = [12], sizes = [1], strides = [1]} : vector<16xf32> to vector<1xf32>
      %squeeze3A_175 = vector.extract %slice3A_174[0] : f32 from vector<1xf32>
      %mul3A_176 = vector.broadcast %squeeze3A_175 : f32 to vector<16xf32>
      %mul3A_177 = arith.mulf %mul3A_176, %add3A_14 : vector<16xf32>
      %add3A_178 = arith.addf %mul3A_177, %sub3A : vector<16xf32>
      %max3A_179 = arith.maximumf %add3A_178, %broadcast_in_dim3A_18 : vector<16xf32>
      %swap3A_180 = arith.constant 196 : i32
      %swap3A_181 = arith.index_cast %swap3A_180 : i32 to index
      %swap3A_182 = arith.constant 0 : index
      %swap3A_183 = tpu.vector_load %arg10[%swap3A_181, %swap3A_182] {strides = array<i32>} : memref<200x16xf32, #tpu.memory_space<vmem>>, vector<1x16xf32>,
      %swap3A_184 = vector.shape_cast %swap3A_183 : vector<1x16xf32> to vector<16xf32>
      %swap3A_185 = vector.shape_cast %max3A_179 : vector<16xf32> to vector<1x16xf32>
      tpu.vector_store %arg10[%swap3A_181, %swap3A_182], %swap3A_185 {strides = array<i32>} : memref<200x16xf32, #tpu.memory_space<vmem>>, vector<1x16xf32>,
      %slice3A_186 = vector.extract_strided_slice %get3A_127 {offsets = [13], sizes = [1], strides = [1]} : vector<16xf32> to vector<1xf32>
      %squeeze3A_187 = vector.extract %slice3A_186[0] : f32 from vector<1xf32>
      %mul3A_188 = vector.broadcast %squeeze3A_187 : f32 to vector<16xf32>
      %mul3A_189 = arith.mulf %mul3A_188, %add3A_14 : vector<16xf32>
      %add3A_190 = arith.addf %mul3A_189, %sub3A : vector<16xf32>
      %max3A_191 = arith.maximumf %add3A_190, %broadcast_in_dim3A_18 : vector<16xf32>
      %swap3A_192 = arith.constant 197 : i32
      %swap3A_193 = arith.index_cast %swap3A_192 : i32 to index
      %swap3A_194 = arith.constant 0 : index
      %swap3A_195 = tpu.vector_load %arg10[%swap3A_193, %swap3A_194] {strides = array<i32>} : memref<200x16xf32, #tpu.memory_space<vmem>>, vector<1x16xf32>,
      %swap3A_196 = vector.shape_cast %swap3A_195 : vector<1x16xf32> to vector<16xf32>
      %swap3A_197 = vector.shape_cast %max3A_191 : vector<16xf32> to vector<1x16xf32>
      tpu.vector_store %arg10[%swap3A_193, %swap3A_194], %swap3A_197 {strides = array<i32>} : memref<200x16xf32, #tpu.memory_space<vmem>>, vector<1x16xf32>,
      %slice3A_198 = vector.extract_strided_slice %get3A_127 {offsets = [14], sizes = [1], strides = [1]} : vector<16xf32> to vector<1xf32>
      %squeeze3A_199 = vector.extract %slice3A_198[0] : f32 from vector<1xf32>
      %mul3A_200 = vector.broadcast %squeeze3A_199 : f32 to vector<16xf32>
      %mul3A_201 = arith.mulf %mul3A_200, %add3A_14 : vector<16xf32>
      %add3A_202 = arith.addf %mul3A_201, %sub3A : vector<16xf32>
      %max3A_203 = arith.maximumf %add3A_202, %broadcast_in_dim3A_18 : vector<16xf32>
      %swap3A_204 = arith.constant 198 : i32
      %swap3A_205 = arith.index_cast %swap3A_204 : i32 to index
      %swap3A_206 = arith.constant 0 : index
      %swap3A_207 = tpu.vector_load %arg10[%swap3A_205, %swap3A_206] {strides = array<i32>} : memref<200x16xf32, #tpu.memory_space<vmem>>, vector<1x16xf32>,
      %swap3A_208 = vector.shape_cast %swap3A_207 : vector<1x16xf32> to vector<16xf32>
      %swap3A_209 = vector.shape_cast %max3A_203 : vector<16xf32> to vector<1x16xf32>
      tpu.vector_store %arg10[%swap3A_205, %swap3A_206], %swap3A_209 {strides = array<i32>} : memref<200x16xf32, #tpu.memory_space<vmem>>, vector<1x16xf32>,
      %slice3A_210 = vector.extract_strided_slice %get3A_127 {offsets = [15], sizes = [1], strides = [1]} : vector<16xf32> to vector<1xf32>
      %squeeze3A_211 = vector.extract %slice3A_210[0] : f32 from vector<1xf32>
      %mul3A_212 = vector.broadcast %squeeze3A_211 : f32 to vector<16xf32>
      %mul3A_213 = arith.mulf %mul3A_212, %add3A_14 : vector<16xf32>
      %add3A_214 = arith.addf %mul3A_213, %sub3A : vector<16xf32>
      %max3A_215 = arith.maximumf %add3A_214, %broadcast_in_dim3A_18 : vector<16xf32>
      %swap3A_216 = arith.constant 199 : i32
      %swap3A_217 = arith.index_cast %swap3A_216 : i32 to index
      %swap3A_218 = arith.constant 0 : index
      %swap3A_219 = tpu.vector_load %arg10[%swap3A_217, %swap3A_218] {strides = array<i32>} : memref<200x16xf32, #tpu.memory_space<vmem>>, vector<1x16xf32>,
      %swap3A_220 = vector.shape_cast %swap3A_219 : vector<1x16xf32> to vector<16xf32>
      %swap3A_221 = vector.shape_cast %max3A_215 : vector<16xf32> to vector<1x16xf32>
      tpu.vector_store %arg10[%swap3A_217, %swap3A_218], %swap3A_221 {strides = array<i32>} : memref<200x16xf32, #tpu.memory_space<vmem>>, vector<1x16xf32>,
      %dma_wait3A_222 = arith.constant 0 : i32
      %dma_wait3A_223 = arith.constant 0 : i32
      %dma_wait3A_224 = arith.constant 0 : i32
      %dma_wait3A_225 = tpu.memref_slice %arg9[%dma_wait3A_222, %dma_wait3A_223, %dma_wait3A_224] : memref<2x200x128xf32, #tpu.memory_space<vmem>> -> memref<1x104x128xf32, #tpu.memory_space<vmem>>
      %dma_wait3A_226 = tpu.memref_squeeze %dma_wait3A_225 : memref<1x104x128xf32, #tpu.memory_space<vmem>> -> memref<104x128xf32, #tpu.memory_space<vmem>>
      %dma_wait3A_227 = tpu.memref_slice %arg7[%mul3A_61] : memref<25600xi32, #tpu.memory_space<vmem>> -> memref<104xi32, #tpu.memory_space<vmem>>
      %dma_wait3A_228 = arith.constant 0 : i32
      %dma_wait3A_229 = arith.constant 0 : i32
      %dma_wait3A_230 = tpu.memref_slice %arg2[%dma_wait3A_228, %dma_wait3A_229] : memref<100000x128xf32, #tpu.memory_space<hbm>> -> memref<100000x128xf32, #tpu.memory_space<hbm>>
      tpu.wait_indirect_dma semaphore(%arg12 : memref<!tpu.dma_semaphore, #tpu.memory_space<semaphore_mem>>) src(%dma_wait3A_230 : memref<100000x128xf32, #tpu.memory_space<hbm>>) dst(%dma_wait3A_226 : memref<104x128xf32, #tpu.memory_space<vmem>>)
      %dma_wait3A_231 = arith.constant 0 : i32
      %dma_wait3A_232 = arith.constant 104 : i32
      %dma_wait3A_233 = arith.constant 0 : i32
      %dma_wait3A_234 = tpu.memref_slice %arg9[%dma_wait3A_231, %dma_wait3A_232, %dma_wait3A_233] : memref<2x200x128xf32, #tpu.memory_space<vmem>> -> memref<1x96x128xf32, #tpu.memory_space<vmem>>
      %dma_wait3A_235 = tpu.memref_squeeze %dma_wait3A_234 : memref<1x96x128xf32, #tpu.memory_space<vmem>> -> memref<96x128xf32, #tpu.memory_space<vmem>>
      %dma_wait3A_236 = tpu.memref_slice %arg7[%add3A_71] : memref<25600xi32, #tpu.memory_space<vmem>> -> memref<96xi32, #tpu.memory_space<vmem>>
      %dma_wait3A_237 = arith.constant 0 : i32
      %dma_wait3A_238 = arith.constant 0 : i32
      %dma_wait3A_239 = tpu.memref_slice %arg2[%dma_wait3A_237, %dma_wait3A_238] : memref<100000x128xf32, #tpu.memory_space<hbm>> -> memref<100000x128xf32, #tpu.memory_space<hbm>>
      tpu.wait_indirect_dma semaphore(%arg12 : memref<!tpu.dma_semaphore, #tpu.memory_space<semaphore_mem>>) src(%dma_wait3A_239 : memref<100000x128xf32, #tpu.memory_space<hbm>>) dst(%dma_wait3A_235 : memref<96x128xf32, #tpu.memory_space<vmem>>)
      %scan3A_240 = arith.constant 0 : i32
      %scan3A_241 = arith.constant 0 : i32
      %scan3A_242 = arith.constant 25 : i32
      %scan3A_243 = arith.addi %scan3A_241, %scan3A_242 : i32
      %scan3A_244 = arith.constant 1 : i32
      scf.for %scan3A_421 = %scan3A_241 to %scan3A_243 step %scan3A_244  : i32 {
        %mul3A_422 = arith.constant 8 : i32
        %mul3A_423 = arith.muli %scan3A_421, %mul3A_422 : i32
        %add3A_424 = arith.constant 0 : i32
        %add3A_425 = arith.addi %mul3A_423, %add3A_424 : i32
        %get3A_426 = arith.index_cast %add3A_425 : i32 to index
        %get3A_427 = arith.constant 0 : index
        %get3A_428 = tpu.vector_load %arg10[%get3A_426, %get3A_427] {strides = array<i32>} : memref<200x16xf32, #tpu.memory_space<vmem>>, vector<1x16xf32>,
        %get3A_429 = vector.shape_cast %get3A_428 : vector<1x16xf32> to vector<16xf32>
        %add3A_430 = arith.constant 0 : i32
        %add3A_431 = arith.addi %mul3A_423, %add3A_430 : i32
        %swap3A_432 = arith.constant 0 : i32
        %swap3A_433 = arith.index_cast %swap3A_432 : i32 to index
        %swap3A_434 = arith.index_cast %add3A_431 : i32 to index
        %swap3A_435 = arith.constant 112 : index
        %swap3A_436 = tpu.vector_load %arg9[%swap3A_433, %swap3A_434, %swap3A_435] {strides = array<i32>} : memref<2x200x128xf32, #tpu.memory_space<vmem>>, vector<1x1x16xf32>,
        %swap3A_437 = vector.shape_cast %swap3A_436 : vector<1x1x16xf32> to vector<16xf32>
        %swap3A_438 = vector.shape_cast %get3A_429 : vector<16xf32> to vector<1x1x16xf32>
        tpu.vector_store %arg9[%swap3A_433, %swap3A_434, %swap3A_435], %swap3A_438 {strides = array<i32>} : memref<2x200x128xf32, #tpu.memory_space<vmem>>, vector<1x1x16xf32>,
        %add3A_439 = arith.constant 1 : i32
        %add3A_440 = arith.addi %mul3A_423, %add3A_439 : i32
        %get3A_441 = arith.index_cast %add3A_440 : i32 to index
        %get3A_442 = arith.constant 0 : index
        %get3A_443 = tpu.vector_load %arg10[%get3A_441, %get3A_442] {strides = array<i32>} : memref<200x16xf32, #tpu.memory_space<vmem>>, vector<1x16xf32>,
        %get3A_444 = vector.shape_cast %get3A_443 : vector<1x16xf32> to vector<16xf32>
        %add3A_445 = arith.constant 1 : i32
        %add3A_446 = arith.addi %mul3A_423, %add3A_445 : i32
        %swap3A_447 = arith.constant 0 : i32
        %swap3A_448 = arith.index_cast %swap3A_447 : i32 to index
        %swap3A_449 = arith.index_cast %add3A_446 : i32 to index
        %swap3A_450 = arith.constant 112 : index
        %swap3A_451 = tpu.vector_load %arg9[%swap3A_448, %swap3A_449, %swap3A_450] {strides = array<i32>} : memref<2x200x128xf32, #tpu.memory_space<vmem>>, vector<1x1x16xf32>,
        %swap3A_452 = vector.shape_cast %swap3A_451 : vector<1x1x16xf32> to vector<16xf32>
        %swap3A_453 = vector.shape_cast %get3A_444 : vector<16xf32> to vector<1x1x16xf32>
        tpu.vector_store %arg9[%swap3A_448, %swap3A_449, %swap3A_450], %swap3A_453 {strides = array<i32>} : memref<2x200x128xf32, #tpu.memory_space<vmem>>, vector<1x1x16xf32>,
        %add3A_454 = arith.constant 2 : i32
        %add3A_455 = arith.addi %mul3A_423, %add3A_454 : i32
        %get3A_456 = arith.index_cast %add3A_455 : i32 to index
        %get3A_457 = arith.constant 0 : index
        %get3A_458 = tpu.vector_load %arg10[%get3A_456, %get3A_457] {strides = array<i32>} : memref<200x16xf32, #tpu.memory_space<vmem>>, vector<1x16xf32>,
        %get3A_459 = vector.shape_cast %get3A_458 : vector<1x16xf32> to vector<16xf32>
        %add3A_460 = arith.constant 2 : i32
        %add3A_461 = arith.addi %mul3A_423, %add3A_460 : i32
        %swap3A_462 = arith.constant 0 : i32
        %swap3A_463 = arith.index_cast %swap3A_462 : i32 to index
        %swap3A_464 = arith.index_cast %add3A_461 : i32 to index
        %swap3A_465 = arith.constant 112 : index
        %swap3A_466 = tpu.vector_load %arg9[%swap3A_463, %swap3A_464, %swap3A_465] {strides = array<i32>} : memref<2x200x128xf32, #tpu.memory_space<vmem>>, vector<1x1x16xf32>,
        %swap3A_467 = vector.shape_cast %swap3A_466 : vector<1x1x16xf32> to vector<16xf32>
        %swap3A_468 = vector.shape_cast %get3A_459 : vector<16xf32> to vector<1x1x16xf32>
        tpu.vector_store %arg9[%swap3A_463, %swap3A_464, %swap3A_465], %swap3A_468 {strides = array<i32>} : memref<2x200x128xf32, #tpu.memory_space<vmem>>, vector<1x1x16xf32>,
        %add3A_469 = arith.constant 3 : i32
        %add3A_470 = arith.addi %mul3A_423, %add3A_469 : i32
        %get3A_471 = arith.index_cast %add3A_470 : i32 to index
        %get3A_472 = arith.constant 0 : index
        %get3A_473 = tpu.vector_load %arg10[%get3A_471, %get3A_472] {strides = array<i32>} : memref<200x16xf32, #tpu.memory_space<vmem>>, vector<1x16xf32>,
        %get3A_474 = vector.shape_cast %get3A_473 : vector<1x16xf32> to vector<16xf32>
        %add3A_475 = arith.constant 3 : i32
        %add3A_476 = arith.addi %mul3A_423, %add3A_475 : i32
        %swap3A_477 = arith.constant 0 : i32
        %swap3A_478 = arith.index_cast %swap3A_477 : i32 to index
        %swap3A_479 = arith.index_cast %add3A_476 : i32 to index
        %swap3A_480 = arith.constant 112 : index
        %swap3A_481 = tpu.vector_load %arg9[%swap3A_478, %swap3A_479, %swap3A_480] {strides = array<i32>} : memref<2x200x128xf32, #tpu.memory_space<vmem>>, vector<1x1x16xf32>,
        %swap3A_482 = vector.shape_cast %swap3A_481 : vector<1x1x16xf32> to vector<16xf32>
        %swap3A_483 = vector.shape_cast %get3A_474 : vector<16xf32> to vector<1x1x16xf32>
        tpu.vector_store %arg9[%swap3A_478, %swap3A_479, %swap3A_480], %swap3A_483 {strides = array<i32>} : memref<2x200x128xf32, #tpu.memory_space<vmem>>, vector<1x1x16xf32>,
        %add3A_484 = arith.constant 4 : i32
        %add3A_485 = arith.addi %mul3A_423, %add3A_484 : i32
        %get3A_486 = arith.index_cast %add3A_485 : i32 to index
        %get3A_487 = arith.constant 0 : index
        %get3A_488 = tpu.vector_load %arg10[%get3A_486, %get3A_487] {strides = array<i32>} : memref<200x16xf32, #tpu.memory_space<vmem>>, vector<1x16xf32>,
        %get3A_489 = vector.shape_cast %get3A_488 : vector<1x16xf32> to vector<16xf32>
        %add3A_490 = arith.constant 4 : i32
        %add3A_491 = arith.addi %mul3A_423, %add3A_490 : i32
        %swap3A_492 = arith.constant 0 : i32
        %swap3A_493 = arith.index_cast %swap3A_492 : i32 to index
        %swap3A_494 = arith.index_cast %add3A_491 : i32 to index
        %swap3A_495 = arith.constant 112 : index
        %swap3A_496 = tpu.vector_load %arg9[%swap3A_493, %swap3A_494, %swap3A_495] {strides = array<i32>} : memref<2x200x128xf32, #tpu.memory_space<vmem>>, vector<1x1x16xf32>,
        %swap3A_497 = vector.shape_cast %swap3A_496 : vector<1x1x16xf32> to vector<16xf32>
        %swap3A_498 = vector.shape_cast %get3A_489 : vector<16xf32> to vector<1x1x16xf32>
        tpu.vector_store %arg9[%swap3A_493, %swap3A_494, %swap3A_495], %swap3A_498 {strides = array<i32>} : memref<2x200x128xf32, #tpu.memory_space<vmem>>, vector<1x1x16xf32>,
        %add3A_499 = arith.constant 5 : i32
        %add3A_500 = arith.addi %mul3A_423, %add3A_499 : i32
        %get3A_501 = arith.index_cast %add3A_500 : i32 to index
        %get3A_502 = arith.constant 0 : index
        %get3A_503 = tpu.vector_load %arg10[%get3A_501, %get3A_502] {strides = array<i32>} : memref<200x16xf32, #tpu.memory_space<vmem>>, vector<1x16xf32>,
        %get3A_504 = vector.shape_cast %get3A_503 : vector<1x16xf32> to vector<16xf32>
        %add3A_505 = arith.constant 5 : i32
        %add3A_506 = arith.addi %mul3A_423, %add3A_505 : i32
        %swap3A_507 = arith.constant 0 : i32
        %swap3A_508 = arith.index_cast %swap3A_507 : i32 to index
        %swap3A_509 = arith.index_cast %add3A_506 : i32 to index
        %swap3A_510 = arith.constant 112 : index
        %swap3A_511 = tpu.vector_load %arg9[%swap3A_508, %swap3A_509, %swap3A_510] {strides = array<i32>} : memref<2x200x128xf32, #tpu.memory_space<vmem>>, vector<1x1x16xf32>,
        %swap3A_512 = vector.shape_cast %swap3A_511 : vector<1x1x16xf32> to vector<16xf32>
        %swap3A_513 = vector.shape_cast %get3A_504 : vector<16xf32> to vector<1x1x16xf32>
        tpu.vector_store %arg9[%swap3A_508, %swap3A_509, %swap3A_510], %swap3A_513 {strides = array<i32>} : memref<2x200x128xf32, #tpu.memory_space<vmem>>, vector<1x1x16xf32>,
        %add3A_514 = arith.constant 6 : i32
        %add3A_515 = arith.addi %mul3A_423, %add3A_514 : i32
        %get3A_516 = arith.index_cast %add3A_515 : i32 to index
        %get3A_517 = arith.constant 0 : index
        %get3A_518 = tpu.vector_load %arg10[%get3A_516, %get3A_517] {strides = array<i32>} : memref<200x16xf32, #tpu.memory_space<vmem>>, vector<1x16xf32>,
        %get3A_519 = vector.shape_cast %get3A_518 : vector<1x16xf32> to vector<16xf32>
        %add3A_520 = arith.constant 6 : i32
        %add3A_521 = arith.addi %mul3A_423, %add3A_520 : i32
        %swap3A_522 = arith.constant 0 : i32
        %swap3A_523 = arith.index_cast %swap3A_522 : i32 to index
        %swap3A_524 = arith.index_cast %add3A_521 : i32 to index
        %swap3A_525 = arith.constant 112 : index
        %swap3A_526 = tpu.vector_load %arg9[%swap3A_523, %swap3A_524, %swap3A_525] {strides = array<i32>} : memref<2x200x128xf32, #tpu.memory_space<vmem>>, vector<1x1x16xf32>,
        %swap3A_527 = vector.shape_cast %swap3A_526 : vector<1x1x16xf32> to vector<16xf32>
        %swap3A_528 = vector.shape_cast %get3A_519 : vector<16xf32> to vector<1x1x16xf32>
        tpu.vector_store %arg9[%swap3A_523, %swap3A_524, %swap3A_525], %swap3A_528 {strides = array<i32>} : memref<2x200x128xf32, #tpu.memory_space<vmem>>, vector<1x1x16xf32>,
        %add3A_529 = arith.constant 7 : i32
        %add3A_530 = arith.addi %mul3A_423, %add3A_529 : i32
        %get3A_531 = arith.index_cast %add3A_530 : i32 to index
        %get3A_532 = arith.constant 0 : index
        %get3A_533 = tpu.vector_load %arg10[%get3A_531, %get3A_532] {strides = array<i32>} : memref<200x16xf32, #tpu.memory_space<vmem>>, vector<1x16xf32>,
        %get3A_534 = vector.shape_cast %get3A_533 : vector<1x16xf32> to vector<16xf32>
        %add3A_535 = arith.constant 7 : i32
        %add3A_536 = arith.addi %mul3A_423, %add3A_535 : i32
        %swap3A_537 = arith.constant 0 : i32
        %swap3A_538 = arith.index_cast %swap3A_537 : i32 to index
        %swap3A_539 = arith.index_cast %add3A_536 : i32 to index
        %swap3A_540 = arith.constant 112 : index
        %swap3A_541 = tpu.vector_load %arg9[%swap3A_538, %swap3A_539, %swap3A_540] {strides = array<i32>} : memref<2x200x128xf32, #tpu.memory_space<vmem>>, vector<1x1x16xf32>,
        %swap3A_542 = vector.shape_cast %swap3A_541 : vector<1x1x16xf32> to vector<16xf32>
        %swap3A_543 = vector.shape_cast %get3A_534 : vector<16xf32> to vector<1x1x16xf32>
        tpu.vector_store %arg9[%swap3A_538, %swap3A_539, %swap3A_540], %swap3A_543 {strides = array<i32>} : memref<2x200x128xf32, #tpu.memory_space<vmem>>, vector<1x1x16xf32>,
      }
      %scan3A_245 = arith.constant 25 : i32
      %mul3A_246 = arith.constant 200 : i32
      %mul3A_247 = arith.muli %mul3A_55, %mul3A_246 : i32
      %add3A_248 = arith.addi %mul3A_2, %mul3A_247 : i32
      %dma_start3A_249 = arith.constant 0 : i32
      %dma_start3A_250 = arith.constant 0 : i32
      %dma_start3A_251 = arith.constant 0 : i32
      %dma_start3A_252 = tpu.memref_slice %arg9[%dma_start3A_249, %dma_start3A_250, %dma_start3A_251] : memref<2x200x128xf32, #tpu.memory_space<vmem>> -> memref<1x200x128xf32, #tpu.memory_space<vmem>>
      %dma_start3A_253 = tpu.memref_squeeze %dma_start3A_252 : memref<1x200x128xf32, #tpu.memory_space<vmem>> -> memref<200x128xf32, #tpu.memory_space<vmem>>
      %dma_start3A_254 = arith.constant 0 : i32
      %dma_start3A_255 = tpu.memref_slice %arg6[%add3A_248, %dma_start3A_254] : memref<819200x128xf32, #tpu.memory_space<hbm>> -> memref<200x128xf32, #tpu.memory_space<hbm>>
      %dma_start3A_256 = arith.constant 0 : i32
      %dma_start3A_257 = tpu.memref_slice %arg6[%add3A_248, %dma_start3A_256] : memref<819200x128xf32, #tpu.memory_space<hbm>> -> memref<200x128xf32, #tpu.memory_space<hbm>>
      %dma_start3A_258 = arith.constant 0 : i32
      %dma_start3A_259 = arith.constant 0 : i32
      %dma_start3A_260 = tpu.memref_slice %arg9[%dma_start3A_249, %dma_start3A_258, %dma_start3A_259] : memref<2x200x128xf32, #tpu.memory_space<vmem>> -> memref<1x200x128xf32, #tpu.memory_space<vmem>>
      %dma_start3A_261 = tpu.memref_squeeze %dma_start3A_260 : memref<1x200x128xf32, #tpu.memory_space<vmem>> -> memref<200x128xf32, #tpu.memory_space<vmem>>
      tpu.enqueue_dma source(%dma_start3A_261 : memref<200x128xf32, #tpu.memory_space<vmem>>) target(%dma_start3A_257 : memref<200x128xf32, #tpu.memory_space<hbm>>) target_semaphore(%arg14 : memref<!tpu.dma_semaphore, #tpu.memory_space<semaphore_mem>>)
      %mul3A_262 = arith.constant 200 : i32
      %mul3A_263 = arith.muli %add3A_57, %mul3A_262 : i32
      %get3A_264 = arith.index_cast %mul3A_263 : i32 to index
      %get3A_265 = tpu.vector_load %arg8[%get3A_264] {strides = array<i32>} : memref<25600xf32, #tpu.memory_space<vmem>>, vector<16xf32>,
      %get3A_266 = vector.shape_cast %get3A_265 : vector<16xf32> to vector<16xf32>
      %slice3A_267 = vector.extract_strided_slice %get3A_266 {offsets = [0], sizes = [1], strides = [1]} : vector<16xf32> to vector<1xf32>
      %squeeze3A_268 = vector.extract %slice3A_267[0] : f32 from vector<1xf32>
      %mul3A_269 = vector.broadcast %squeeze3A_268 : f32 to vector<16xf32>
      %mul3A_270 = arith.mulf %mul3A_269, %mul3A_7 : vector<16xf32>
      %sub3A_271 = arith.subf %get3A_17, %mul3A_270 : vector<16xf32>
      %scan3A_272 = arith.constant 0 : i32
      %scan3A_273 = arith.constant 0 : i32
      %scan3A_274 = arith.constant 12 : i32
      %scan3A_275 = arith.addi %scan3A_273, %scan3A_274 : i32
      %scan3A_276 = arith.constant 1 : i32
      scf.for %scan3A_421 = %scan3A_273 to %scan3A_275 step %scan3A_276  : i32 {
        %mul3A_422 = arith.constant 16 : i32
        %mul3A_423 = arith.muli %scan3A_421, %mul3A_422 : i32
        %add3A_424 = arith.addi %mul3A_263, %mul3A_423 : i32
        %get3A_425 = arith.index_cast %add3A_424 : i32 to index
        %get3A_426 = tpu.vector_load %arg8[%get3A_425] {strides = array<i32>} : memref<25600xf32, #tpu.memory_space<vmem>>, vector<16xf32>,
        %get3A_427 = vector.shape_cast %get3A_426 : vector<16xf32> to vector<16xf32>
        %slice3A_428 = vector.extract_strided_slice %get3A_427 {offsets = [0], sizes = [1], strides = [1]} : vector<16xf32> to vector<1xf32>
        %squeeze3A_429 = vector.extract %slice3A_428[0] : f32 from vector<1xf32>
        %mul3A_430 = vector.broadcast %squeeze3A_429 : f32 to vector<16xf32>
        %mul3A_431 = arith.mulf %mul3A_430, %add3A_14 : vector<16xf32>
        %add3A_432 = arith.addf %mul3A_431, %sub3A_271 : vector<16xf32>
        %max3A_433 = arith.maximumf %add3A_432, %broadcast_in_dim3A_18 : vector<16xf32>
        %add3A_434 = arith.constant 0 : i32
        %add3A_435 = arith.addi %mul3A_423, %add3A_434 : i32
        %swap3A_436 = arith.index_cast %add3A_435 : i32 to index
        %swap3A_437 = arith.constant 0 : index
        %swap3A_438 = tpu.vector_load %arg10[%swap3A_436, %swap3A_437] {strides = array<i32>} : memref<200x16xf32, #tpu.memory_space<vmem>>, vector<1x16xf32>,
        %swap3A_439 = vector.shape_cast %swap3A_438 : vector<1x16xf32> to vector<16xf32>
        %swap3A_440 = vector.shape_cast %max3A_433 : vector<16xf32> to vector<1x16xf32>
        tpu.vector_store %arg10[%swap3A_436, %swap3A_437], %swap3A_440 {strides = array<i32>} : memref<200x16xf32, #tpu.memory_space<vmem>>, vector<1x16xf32>,
        %slice3A_441 = vector.extract_strided_slice %get3A_427 {offsets = [1], sizes = [1], strides = [1]} : vector<16xf32> to vector<1xf32>
        %squeeze3A_442 = vector.extract %slice3A_441[0] : f32 from vector<1xf32>
        %mul3A_443 = vector.broadcast %squeeze3A_442 : f32 to vector<16xf32>
        %mul3A_444 = arith.mulf %mul3A_443, %add3A_14 : vector<16xf32>
        %add3A_445 = arith.addf %mul3A_444, %sub3A_271 : vector<16xf32>
        %max3A_446 = arith.maximumf %add3A_445, %broadcast_in_dim3A_18 : vector<16xf32>
        %add3A_447 = arith.constant 1 : i32
        %add3A_448 = arith.addi %mul3A_423, %add3A_447 : i32
        %swap3A_449 = arith.index_cast %add3A_448 : i32 to index
        %swap3A_450 = arith.constant 0 : index
        %swap3A_451 = tpu.vector_load %arg10[%swap3A_449, %swap3A_450] {strides = array<i32>} : memref<200x16xf32, #tpu.memory_space<vmem>>, vector<1x16xf32>,
        %swap3A_452 = vector.shape_cast %swap3A_451 : vector<1x16xf32> to vector<16xf32>
        %swap3A_453 = vector.shape_cast %max3A_446 : vector<16xf32> to vector<1x16xf32>
        tpu.vector_store %arg10[%swap3A_449, %swap3A_450], %swap3A_453 {strides = array<i32>} : memref<200x16xf32, #tpu.memory_space<vmem>>, vector<1x16xf32>,
        %slice3A_454 = vector.extract_strided_slice %get3A_427 {offsets = [2], sizes = [1], strides = [1]} : vector<16xf32> to vector<1xf32>
        %squeeze3A_455 = vector.extract %slice3A_454[0] : f32 from vector<1xf32>
        %mul3A_456 = vector.broadcast %squeeze3A_455 : f32 to vector<16xf32>
        %mul3A_457 = arith.mulf %mul3A_456, %add3A_14 : vector<16xf32>
        %add3A_458 = arith.addf %mul3A_457, %sub3A_271 : vector<16xf32>
        %max3A_459 = arith.maximumf %add3A_458, %broadcast_in_dim3A_18 : vector<16xf32>
        %add3A_460 = arith.constant 2 : i32
        %add3A_461 = arith.addi %mul3A_423, %add3A_460 : i32
        %swap3A_462 = arith.index_cast %add3A_461 : i32 to index
        %swap3A_463 = arith.constant 0 : index
        %swap3A_464 = tpu.vector_load %arg10[%swap3A_462, %swap3A_463] {strides = array<i32>} : memref<200x16xf32, #tpu.memory_space<vmem>>, vector<1x16xf32>,
        %swap3A_465 = vector.shape_cast %swap3A_464 : vector<1x16xf32> to vector<16xf32>
        %swap3A_466 = vector.shape_cast %max3A_459 : vector<16xf32> to vector<1x16xf32>
        tpu.vector_store %arg10[%swap3A_462, %swap3A_463], %swap3A_466 {strides = array<i32>} : memref<200x16xf32, #tpu.memory_space<vmem>>, vector<1x16xf32>,
        %slice3A_467 = vector.extract_strided_slice %get3A_427 {offsets = [3], sizes = [1], strides = [1]} : vector<16xf32> to vector<1xf32>
        %squeeze3A_468 = vector.extract %slice3A_467[0] : f32 from vector<1xf32>
        %mul3A_469 = vector.broadcast %squeeze3A_468 : f32 to vector<16xf32>
        %mul3A_470 = arith.mulf %mul3A_469, %add3A_14 : vector<16xf32>
        %add3A_471 = arith.addf %mul3A_470, %sub3A_271 : vector<16xf32>
        %max3A_472 = arith.maximumf %add3A_471, %broadcast_in_dim3A_18 : vector<16xf32>
        %add3A_473 = arith.constant 3 : i32
        %add3A_474 = arith.addi %mul3A_423, %add3A_473 : i32
        %swap3A_475 = arith.index_cast %add3A_474 : i32 to index
        %swap3A_476 = arith.constant 0 : index
        %swap3A_477 = tpu.vector_load %arg10[%swap3A_475, %swap3A_476] {strides = array<i32>} : memref<200x16xf32, #tpu.memory_space<vmem>>, vector<1x16xf32>,
        %swap3A_478 = vector.shape_cast %swap3A_477 : vector<1x16xf32> to vector<16xf32>
        %swap3A_479 = vector.shape_cast %max3A_472 : vector<16xf32> to vector<1x16xf32>
        tpu.vector_store %arg10[%swap3A_475, %swap3A_476], %swap3A_479 {strides = array<i32>} : memref<200x16xf32, #tpu.memory_space<vmem>>, vector<1x16xf32>,
        %slice3A_480 = vector.extract_strided_slice %get3A_427 {offsets = [4], sizes = [1], strides = [1]} : vector<16xf32> to vector<1xf32>
        %squeeze3A_481 = vector.extract %slice3A_480[0] : f32 from vector<1xf32>
        %mul3A_482 = vector.broadcast %squeeze3A_481 : f32 to vector<16xf32>
        %mul3A_483 = arith.mulf %mul3A_482, %add3A_14 : vector<16xf32>
        %add3A_484 = arith.addf %mul3A_483, %sub3A_271 : vector<16xf32>
        %max3A_485 = arith.maximumf %add3A_484, %broadcast_in_dim3A_18 : vector<16xf32>
        %add3A_486 = arith.constant 4 : i32
        %add3A_487 = arith.addi %mul3A_423, %add3A_486 : i32
        %swap3A_488 = arith.index_cast %add3A_487 : i32 to index
        %swap3A_489 = arith.constant 0 : index
        %swap3A_490 = tpu.vector_load %arg10[%swap3A_488, %swap3A_489] {strides = array<i32>} : memref<200x16xf32, #tpu.memory_space<vmem>>, vector<1x16xf32>,
        %swap3A_491 = vector.shape_cast %swap3A_490 : vector<1x16xf32> to vector<16xf32>
        %swap3A_492 = vector.shape_cast %max3A_485 : vector<16xf32> to vector<1x16xf32>
        tpu.vector_store %arg10[%swap3A_488, %swap3A_489], %swap3A_492 {strides = array<i32>} : memref<200x16xf32, #tpu.memory_space<vmem>>, vector<1x16xf32>,
        %slice3A_493 = vector.extract_strided_slice %get3A_427 {offsets = [5], sizes = [1], strides = [1]} : vector<16xf32> to vector<1xf32>
        %squeeze3A_494 = vector.extract %slice3A_493[0] : f32 from vector<1xf32>
        %mul3A_495 = vector.broadcast %squeeze3A_494 : f32 to vector<16xf32>
        %mul3A_496 = arith.mulf %mul3A_495, %add3A_14 : vector<16xf32>
        %add3A_497 = arith.addf %mul3A_496, %sub3A_271 : vector<16xf32>
        %max3A_498 = arith.maximumf %add3A_497, %broadcast_in_dim3A_18 : vector<16xf32>
        %add3A_499 = arith.constant 5 : i32
        %add3A_500 = arith.addi %mul3A_423, %add3A_499 : i32
        %swap3A_501 = arith.index_cast %add3A_500 : i32 to index
        %swap3A_502 = arith.constant 0 : index
        %swap3A_503 = tpu.vector_load %arg10[%swap3A_501, %swap3A_502] {strides = array<i32>} : memref<200x16xf32, #tpu.memory_space<vmem>>, vector<1x16xf32>,
        %swap3A_504 = vector.shape_cast %swap3A_503 : vector<1x16xf32> to vector<16xf32>
        %swap3A_505 = vector.shape_cast %max3A_498 : vector<16xf32> to vector<1x16xf32>
        tpu.vector_store %arg10[%swap3A_501, %swap3A_502], %swap3A_505 {strides = array<i32>} : memref<200x16xf32, #tpu.memory_space<vmem>>, vector<1x16xf32>,
        %slice3A_506 = vector.extract_strided_slice %get3A_427 {offsets = [6], sizes = [1], strides = [1]} : vector<16xf32> to vector<1xf32>
        %squeeze3A_507 = vector.extract %slice3A_506[0] : f32 from vector<1xf32>
        %mul3A_508 = vector.broadcast %squeeze3A_507 : f32 to vector<16xf32>
        %mul3A_509 = arith.mulf %mul3A_508, %add3A_14 : vector<16xf32>
        %add3A_510 = arith.addf %mul3A_509, %sub3A_271 : vector<16xf32>
        %max3A_511 = arith.maximumf %add3A_510, %broadcast_in_dim3A_18 : vector<16xf32>
        %add3A_512 = arith.constant 6 : i32
        %add3A_513 = arith.addi %mul3A_423, %add3A_512 : i32
        %swap3A_514 = arith.index_cast %add3A_513 : i32 to index
        %swap3A_515 = arith.constant 0 : index
        %swap3A_516 = tpu.vector_load %arg10[%swap3A_514, %swap3A_515] {strides = array<i32>} : memref<200x16xf32, #tpu.memory_space<vmem>>, vector<1x16xf32>,
        %swap3A_517 = vector.shape_cast %swap3A_516 : vector<1x16xf32> to vector<16xf32>
        %swap3A_518 = vector.shape_cast %max3A_511 : vector<16xf32> to vector<1x16xf32>
        tpu.vector_store %arg10[%swap3A_514, %swap3A_515], %swap3A_518 {strides = array<i32>} : memref<200x16xf32, #tpu.memory_space<vmem>>, vector<1x16xf32>,
        %slice3A_519 = vector.extract_strided_slice %get3A_427 {offsets = [7], sizes = [1], strides = [1]} : vector<16xf32> to vector<1xf32>
        %squeeze3A_520 = vector.extract %slice3A_519[0] : f32 from vector<1xf32>
        %mul3A_521 = vector.broadcast %squeeze3A_520 : f32 to vector<16xf32>
        %mul3A_522 = arith.mulf %mul3A_521, %add3A_14 : vector<16xf32>
        %add3A_523 = arith.addf %mul3A_522, %sub3A_271 : vector<16xf32>
        %max3A_524 = arith.maximumf %add3A_523, %broadcast_in_dim3A_18 : vector<16xf32>
        %add3A_525 = arith.constant 7 : i32
        %add3A_526 = arith.addi %mul3A_423, %add3A_525 : i32
        %swap3A_527 = arith.index_cast %add3A_526 : i32 to index
        %swap3A_528 = arith.constant 0 : index
        %swap3A_529 = tpu.vector_load %arg10[%swap3A_527, %swap3A_528] {strides = array<i32>} : memref<200x16xf32, #tpu.memory_space<vmem>>, vector<1x16xf32>,
        %swap3A_530 = vector.shape_cast %swap3A_529 : vector<1x16xf32> to vector<16xf32>
        %swap3A_531 = vector.shape_cast %max3A_524 : vector<16xf32> to vector<1x16xf32>
        tpu.vector_store %arg10[%swap3A_527, %swap3A_528], %swap3A_531 {strides = array<i32>} : memref<200x16xf32, #tpu.memory_space<vmem>>, vector<1x16xf32>,
        %slice3A_532 = vector.extract_strided_slice %get3A_427 {offsets = [8], sizes = [1], strides = [1]} : vector<16xf32> to vector<1xf32>
        %squeeze3A_533 = vector.extract %slice3A_532[0] : f32 from vector<1xf32>
        %mul3A_534 = vector.broadcast %squeeze3A_533 : f32 to vector<16xf32>
        %mul3A_535 = arith.mulf %mul3A_534, %add3A_14 : vector<16xf32>
        %add3A_536 = arith.addf %mul3A_535, %sub3A_271 : vector<16xf32>
        %max3A_537 = arith.maximumf %add3A_536, %broadcast_in_dim3A_18 : vector<16xf32>
        %add3A_538 = arith.constant 8 : i32
        %add3A_539 = arith.addi %mul3A_423, %add3A_538 : i32
        %swap3A_540 = arith.index_cast %add3A_539 : i32 to index
        %swap3A_541 = arith.constant 0 : index
        %swap3A_542 = tpu.vector_load %arg10[%swap3A_540, %swap3A_541] {strides = array<i32>} : memref<200x16xf32, #tpu.memory_space<vmem>>, vector<1x16xf32>,
        %swap3A_543 = vector.shape_cast %swap3A_542 : vector<1x16xf32> to vector<16xf32>
        %swap3A_544 = vector.shape_cast %max3A_537 : vector<16xf32> to vector<1x16xf32>
        tpu.vector_store %arg10[%swap3A_540, %swap3A_541], %swap3A_544 {strides = array<i32>} : memref<200x16xf32, #tpu.memory_space<vmem>>, vector<1x16xf32>,
        %slice3A_545 = vector.extract_strided_slice %get3A_427 {offsets = [9], sizes = [1], strides = [1]} : vector<16xf32> to vector<1xf32>
        %squeeze3A_546 = vector.extract %slice3A_545[0] : f32 from vector<1xf32>
        %mul3A_547 = vector.broadcast %squeeze3A_546 : f32 to vector<16xf32>
        %mul3A_548 = arith.mulf %mul3A_547, %add3A_14 : vector<16xf32>
        %add3A_549 = arith.addf %mul3A_548, %sub3A_271 : vector<16xf32>
        %max3A_550 = arith.maximumf %add3A_549, %broadcast_in_dim3A_18 : vector<16xf32>
        %add3A_551 = arith.constant 9 : i32
        %add3A_552 = arith.addi %mul3A_423, %add3A_551 : i32
        %swap3A_553 = arith.index_cast %add3A_552 : i32 to index
        %swap3A_554 = arith.constant 0 : index
        %swap3A_555 = tpu.vector_load %arg10[%swap3A_553, %swap3A_554] {strides = array<i32>} : memref<200x16xf32, #tpu.memory_space<vmem>>, vector<1x16xf32>,
        %swap3A_556 = vector.shape_cast %swap3A_555 : vector<1x16xf32> to vector<16xf32>
        %swap3A_557 = vector.shape_cast %max3A_550 : vector<16xf32> to vector<1x16xf32>
        tpu.vector_store %arg10[%swap3A_553, %swap3A_554], %swap3A_557 {strides = array<i32>} : memref<200x16xf32, #tpu.memory_space<vmem>>, vector<1x16xf32>,
        %slice3A_558 = vector.extract_strided_slice %get3A_427 {offsets = [10], sizes = [1], strides = [1]} : vector<16xf32> to vector<1xf32>
        %squeeze3A_559 = vector.extract %slice3A_558[0] : f32 from vector<1xf32>
        %mul3A_560 = vector.broadcast %squeeze3A_559 : f32 to vector<16xf32>
        %mul3A_561 = arith.mulf %mul3A_560, %add3A_14 : vector<16xf32>
        %add3A_562 = arith.addf %mul3A_561, %sub3A_271 : vector<16xf32>
        %max3A_563 = arith.maximumf %add3A_562, %broadcast_in_dim3A_18 : vector<16xf32>
        %add3A_564 = arith.constant 10 : i32
        %add3A_565 = arith.addi %mul3A_423, %add3A_564 : i32
        %swap3A_566 = arith.index_cast %add3A_565 : i32 to index
        %swap3A_567 = arith.constant 0 : index
        %swap3A_568 = tpu.vector_load %arg10[%swap3A_566, %swap3A_567] {strides = array<i32>} : memref<200x16xf32, #tpu.memory_space<vmem>>, vector<1x16xf32>,
        %swap3A_569 = vector.shape_cast %swap3A_568 : vector<1x16xf32> to vector<16xf32>
        %swap3A_570 = vector.shape_cast %max3A_563 : vector<16xf32> to vector<1x16xf32>
        tpu.vector_store %arg10[%swap3A_566, %swap3A_567], %swap3A_570 {strides = array<i32>} : memref<200x16xf32, #tpu.memory_space<vmem>>, vector<1x16xf32>,
        %slice3A_571 = vector.extract_strided_slice %get3A_427 {offsets = [11], sizes = [1], strides = [1]} : vector<16xf32> to vector<1xf32>
        %squeeze3A_572 = vector.extract %slice3A_571[0] : f32 from vector<1xf32>
        %mul3A_573 = vector.broadcast %squeeze3A_572 : f32 to vector<16xf32>
        %mul3A_574 = arith.mulf %mul3A_573, %add3A_14 : vector<16xf32>
        %add3A_575 = arith.addf %mul3A_574, %sub3A_271 : vector<16xf32>
        %max3A_576 = arith.maximumf %add3A_575, %broadcast_in_dim3A_18 : vector<16xf32>
        %add3A_577 = arith.constant 11 : i32
        %add3A_578 = arith.addi %mul3A_423, %add3A_577 : i32
        %swap3A_579 = arith.index_cast %add3A_578 : i32 to index
        %swap3A_580 = arith.constant 0 : index
        %swap3A_581 = tpu.vector_load %arg10[%swap3A_579, %swap3A_580] {strides = array<i32>} : memref<200x16xf32, #tpu.memory_space<vmem>>, vector<1x16xf32>,
        %swap3A_582 = vector.shape_cast %swap3A_581 : vector<1x16xf32> to vector<16xf32>
        %swap3A_583 = vector.shape_cast %max3A_576 : vector<16xf32> to vector<1x16xf32>
        tpu.vector_store %arg10[%swap3A_579, %swap3A_580], %swap3A_583 {strides = array<i32>} : memref<200x16xf32, #tpu.memory_space<vmem>>, vector<1x16xf32>,
        %slice3A_584 = vector.extract_strided_slice %get3A_427 {offsets = [12], sizes = [1], strides = [1]} : vector<16xf32> to vector<1xf32>
        %squeeze3A_585 = vector.extract %slice3A_584[0] : f32 from vector<1xf32>
        %mul3A_586 = vector.broadcast %squeeze3A_585 : f32 to vector<16xf32>
        %mul3A_587 = arith.mulf %mul3A_586, %add3A_14 : vector<16xf32>
        %add3A_588 = arith.addf %mul3A_587, %sub3A_271 : vector<16xf32>
        %max3A_589 = arith.maximumf %add3A_588, %broadcast_in_dim3A_18 : vector<16xf32>
        %add3A_590 = arith.constant 12 : i32
        %add3A_591 = arith.addi %mul3A_423, %add3A_590 : i32
        %swap3A_592 = arith.index_cast %add3A_591 : i32 to index
        %swap3A_593 = arith.constant 0 : index
        %swap3A_594 = tpu.vector_load %arg10[%swap3A_592, %swap3A_593] {strides = array<i32>} : memref<200x16xf32, #tpu.memory_space<vmem>>, vector<1x16xf32>,
        %swap3A_595 = vector.shape_cast %swap3A_594 : vector<1x16xf32> to vector<16xf32>
        %swap3A_596 = vector.shape_cast %max3A_589 : vector<16xf32> to vector<1x16xf32>
        tpu.vector_store %arg10[%swap3A_592, %swap3A_593], %swap3A_596 {strides = array<i32>} : memref<200x16xf32, #tpu.memory_space<vmem>>, vector<1x16xf32>,
        %slice3A_597 = vector.extract_strided_slice %get3A_427 {offsets = [13], sizes = [1], strides = [1]} : vector<16xf32> to vector<1xf32>
        %squeeze3A_598 = vector.extract %slice3A_597[0] : f32 from vector<1xf32>
        %mul3A_599 = vector.broadcast %squeeze3A_598 : f32 to vector<16xf32>
        %mul3A_600 = arith.mulf %mul3A_599, %add3A_14 : vector<16xf32>
        %add3A_601 = arith.addf %mul3A_600, %sub3A_271 : vector<16xf32>
        %max3A_602 = arith.maximumf %add3A_601, %broadcast_in_dim3A_18 : vector<16xf32>
        %add3A_603 = arith.constant 13 : i32
        %add3A_604 = arith.addi %mul3A_423, %add3A_603 : i32
        %swap3A_605 = arith.index_cast %add3A_604 : i32 to index
        %swap3A_606 = arith.constant 0 : index
        %swap3A_607 = tpu.vector_load %arg10[%swap3A_605, %swap3A_606] {strides = array<i32>} : memref<200x16xf32, #tpu.memory_space<vmem>>, vector<1x16xf32>,
        %swap3A_608 = vector.shape_cast %swap3A_607 : vector<1x16xf32> to vector<16xf32>
        %swap3A_609 = vector.shape_cast %max3A_602 : vector<16xf32> to vector<1x16xf32>
        tpu.vector_store %arg10[%swap3A_605, %swap3A_606], %swap3A_609 {strides = array<i32>} : memref<200x16xf32, #tpu.memory_space<vmem>>, vector<1x16xf32>,
        %slice3A_610 = vector.extract_strided_slice %get3A_427 {offsets = [14], sizes = [1], strides = [1]} : vector<16xf32> to vector<1xf32>
        %squeeze3A_611 = vector.extract %slice3A_610[0] : f32 from vector<1xf32>
        %mul3A_612 = vector.broadcast %squeeze3A_611 : f32 to vector<16xf32>
        %mul3A_613 = arith.mulf %mul3A_612, %add3A_14 : vector<16xf32>
        %add3A_614 = arith.addf %mul3A_613, %sub3A_271 : vector<16xf32>
        %max3A_615 = arith.maximumf %add3A_614, %broadcast_in_dim3A_18 : vector<16xf32>
        %add3A_616 = arith.constant 14 : i32
        %add3A_617 = arith.addi %mul3A_423, %add3A_616 : i32
        %swap3A_618 = arith.index_cast %add3A_617 : i32 to index
        %swap3A_619 = arith.constant 0 : index
        %swap3A_620 = tpu.vector_load %arg10[%swap3A_618, %swap3A_619] {strides = array<i32>} : memref<200x16xf32, #tpu.memory_space<vmem>>, vector<1x16xf32>,
        %swap3A_621 = vector.shape_cast %swap3A_620 : vector<1x16xf32> to vector<16xf32>
        %swap3A_622 = vector.shape_cast %max3A_615 : vector<16xf32> to vector<1x16xf32>
        tpu.vector_store %arg10[%swap3A_618, %swap3A_619], %swap3A_622 {strides = array<i32>} : memref<200x16xf32, #tpu.memory_space<vmem>>, vector<1x16xf32>,
        %slice3A_623 = vector.extract_strided_slice %get3A_427 {offsets = [15], sizes = [1], strides = [1]} : vector<16xf32> to vector<1xf32>
        %squeeze3A_624 = vector.extract %slice3A_623[0] : f32 from vector<1xf32>
        %mul3A_625 = vector.broadcast %squeeze3A_624 : f32 to vector<16xf32>
        %mul3A_626 = arith.mulf %mul3A_625, %add3A_14 : vector<16xf32>
        %add3A_627 = arith.addf %mul3A_626, %sub3A_271 : vector<16xf32>
        %max3A_628 = arith.maximumf %add3A_627, %broadcast_in_dim3A_18 : vector<16xf32>
        %add3A_629 = arith.constant 15 : i32
        %add3A_630 = arith.addi %mul3A_423, %add3A_629 : i32
        %swap3A_631 = arith.index_cast %add3A_630 : i32 to index
        %swap3A_632 = arith.constant 0 : index
        %swap3A_633 = tpu.vector_load %arg10[%swap3A_631, %swap3A_632] {strides = array<i32>} : memref<200x16xf32, #tpu.memory_space<vmem>>, vector<1x16xf32>,
        %swap3A_634 = vector.shape_cast %swap3A_633 : vector<1x16xf32> to vector<16xf32>
        %swap3A_635 = vector.shape_cast %max3A_628 : vector<16xf32> to vector<1x16xf32>
        tpu.vector_store %arg10[%swap3A_631, %swap3A_632], %swap3A_635 {strides = array<i32>} : memref<200x16xf32, #tpu.memory_space<vmem>>, vector<1x16xf32>,
      }
      %scan3A_277 = arith.constant 12 : i32
      %add3A_278 = arith.constant 200 : i32
      %add3A_279 = arith.addi %mul3A_263, %add3A_278 : i32
      %sub3A_280 = arith.constant 16 : i32
      %sub3A_281 = arith.subi %add3A_279, %sub3A_280 : i32
      %get3A_282 = arith.index_cast %sub3A_281 : i32 to index
      %get3A_283 = tpu.vector_load %arg8[%get3A_282] {strides = array<i32>} : memref<25600xf32, #tpu.memory_space<vmem>>, vector<16xf32>,
      %get3A_284 = vector.shape_cast %get3A_283 : vector<16xf32> to vector<16xf32>
      %slice3A_285 = vector.extract_strided_slice %get3A_284 {offsets = [8], sizes = [1], strides = [1]} : vector<16xf32> to vector<1xf32>
      %squeeze3A_286 = vector.extract %slice3A_285[0] : f32 from vector<1xf32>
      %mul3A_287 = vector.broadcast %squeeze3A_286 : f32 to vector<16xf32>
      %mul3A_288 = arith.mulf %mul3A_287, %add3A_14 : vector<16xf32>
      %add3A_289 = arith.addf %mul3A_288, %sub3A_271 : vector<16xf32>
      %max3A_290 = arith.maximumf %add3A_289, %broadcast_in_dim3A_18 : vector<16xf32>
      %swap3A_291 = arith.constant 192 : i32
      %swap3A_292 = arith.index_cast %swap3A_291 : i32 to index
      %swap3A_293 = arith.constant 0 : index
      %swap3A_294 = tpu.vector_load %arg10[%swap3A_292, %swap3A_293] {strides = array<i32>} : memref<200x16xf32, #tpu.memory_space<vmem>>, vector<1x16xf32>,
      %swap3A_295 = vector.shape_cast %swap3A_294 : vector<1x16xf32> to vector<16xf32>
      %swap3A_296 = vector.shape_cast %max3A_290 : vector<16xf32> to vector<1x16xf32>
      tpu.vector_store %arg10[%swap3A_292, %swap3A_293], %swap3A_296 {strides = array<i32>} : memref<200x16xf32, #tpu.memory_space<vmem>>, vector<1x16xf32>,
      %slice3A_297 = vector.extract_strided_slice %get3A_284 {offsets = [9], sizes = [1], strides = [1]} : vector<16xf32> to vector<1xf32>
      %squeeze3A_298 = vector.extract %slice3A_297[0] : f32 from vector<1xf32>
      %mul3A_299 = vector.broadcast %squeeze3A_298 : f32 to vector<16xf32>
      %mul3A_300 = arith.mulf %mul3A_299, %add3A_14 : vector<16xf32>
      %add3A_301 = arith.addf %mul3A_300, %sub3A_271 : vector<16xf32>
      %max3A_302 = arith.maximumf %add3A_301, %broadcast_in_dim3A_18 : vector<16xf32>
      %swap3A_303 = arith.constant 193 : i32
      %swap3A_304 = arith.index_cast %swap3A_303 : i32 to index
      %swap3A_305 = arith.constant 0 : index
      %swap3A_306 = tpu.vector_load %arg10[%swap3A_304, %swap3A_305] {strides = array<i32>} : memref<200x16xf32, #tpu.memory_space<vmem>>, vector<1x16xf32>,
      %swap3A_307 = vector.shape_cast %swap3A_306 : vector<1x16xf32> to vector<16xf32>
      %swap3A_308 = vector.shape_cast %max3A_302 : vector<16xf32> to vector<1x16xf32>
      tpu.vector_store %arg10[%swap3A_304, %swap3A_305], %swap3A_308 {strides = array<i32>} : memref<200x16xf32, #tpu.memory_space<vmem>>, vector<1x16xf32>,
      %slice3A_309 = vector.extract_strided_slice %get3A_284 {offsets = [10], sizes = [1], strides = [1]} : vector<16xf32> to vector<1xf32>
      %squeeze3A_310 = vector.extract %slice3A_309[0] : f32 from vector<1xf32>
      %mul3A_311 = vector.broadcast %squeeze3A_310 : f32 to vector<16xf32>
      %mul3A_312 = arith.mulf %mul3A_311, %add3A_14 : vector<16xf32>
      %add3A_313 = arith.addf %mul3A_312, %sub3A_271 : vector<16xf32>
      %max3A_314 = arith.maximumf %add3A_313, %broadcast_in_dim3A_18 : vector<16xf32>
      %swap3A_315 = arith.constant 194 : i32
      %swap3A_316 = arith.index_cast %swap3A_315 : i32 to index
      %swap3A_317 = arith.constant 0 : index
      %swap3A_318 = tpu.vector_load %arg10[%swap3A_316, %swap3A_317] {strides = array<i32>} : memref<200x16xf32, #tpu.memory_space<vmem>>, vector<1x16xf32>,
      %swap3A_319 = vector.shape_cast %swap3A_318 : vector<1x16xf32> to vector<16xf32>
      %swap3A_320 = vector.shape_cast %max3A_314 : vector<16xf32> to vector<1x16xf32>
      tpu.vector_store %arg10[%swap3A_316, %swap3A_317], %swap3A_320 {strides = array<i32>} : memref<200x16xf32, #tpu.memory_space<vmem>>, vector<1x16xf32>,
      %slice3A_321 = vector.extract_strided_slice %get3A_284 {offsets = [11], sizes = [1], strides = [1]} : vector<16xf32> to vector<1xf32>
      %squeeze3A_322 = vector.extract %slice3A_321[0] : f32 from vector<1xf32>
      %mul3A_323 = vector.broadcast %squeeze3A_322 : f32 to vector<16xf32>
      %mul3A_324 = arith.mulf %mul3A_323, %add3A_14 : vector<16xf32>
      %add3A_325 = arith.addf %mul3A_324, %sub3A_271 : vector<16xf32>
      %max3A_326 = arith.maximumf %add3A_325, %broadcast_in_dim3A_18 : vector<16xf32>
      %swap3A_327 = arith.constant 195 : i32
      %swap3A_328 = arith.index_cast %swap3A_327 : i32 to index
      %swap3A_329 = arith.constant 0 : index
      %swap3A_330 = tpu.vector_load %arg10[%swap3A_328, %swap3A_329] {strides = array<i32>} : memref<200x16xf32, #tpu.memory_space<vmem>>, vector<1x16xf32>,
      %swap3A_331 = vector.shape_cast %swap3A_330 : vector<1x16xf32> to vector<16xf32>
      %swap3A_332 = vector.shape_cast %max3A_326 : vector<16xf32> to vector<1x16xf32>
      tpu.vector_store %arg10[%swap3A_328, %swap3A_329], %swap3A_332 {strides = array<i32>} : memref<200x16xf32, #tpu.memory_space<vmem>>, vector<1x16xf32>,
      %slice3A_333 = vector.extract_strided_slice %get3A_284 {offsets = [12], sizes = [1], strides = [1]} : vector<16xf32> to vector<1xf32>
      %squeeze3A_334 = vector.extract %slice3A_333[0] : f32 from vector<1xf32>
      %mul3A_335 = vector.broadcast %squeeze3A_334 : f32 to vector<16xf32>
      %mul3A_336 = arith.mulf %mul3A_335, %add3A_14 : vector<16xf32>
      %add3A_337 = arith.addf %mul3A_336, %sub3A_271 : vector<16xf32>
      %max3A_338 = arith.maximumf %add3A_337, %broadcast_in_dim3A_18 : vector<16xf32>
      %swap3A_339 = arith.constant 196 : i32
      %swap3A_340 = arith.index_cast %swap3A_339 : i32 to index
      %swap3A_341 = arith.constant 0 : index
      %swap3A_342 = tpu.vector_load %arg10[%swap3A_340, %swap3A_341] {strides = array<i32>} : memref<200x16xf32, #tpu.memory_space<vmem>>, vector<1x16xf32>,
      %swap3A_343 = vector.shape_cast %swap3A_342 : vector<1x16xf32> to vector<16xf32>
      %swap3A_344 = vector.shape_cast %max3A_338 : vector<16xf32> to vector<1x16xf32>
      tpu.vector_store %arg10[%swap3A_340, %swap3A_341], %swap3A_344 {strides = array<i32>} : memref<200x16xf32, #tpu.memory_space<vmem>>, vector<1x16xf32>,
      %slice3A_345 = vector.extract_strided_slice %get3A_284 {offsets = [13], sizes = [1], strides = [1]} : vector<16xf32> to vector<1xf32>
      %squeeze3A_346 = vector.extract %slice3A_345[0] : f32 from vector<1xf32>
      %mul3A_347 = vector.broadcast %squeeze3A_346 : f32 to vector<16xf32>
      %mul3A_348 = arith.mulf %mul3A_347, %add3A_14 : vector<16xf32>
      %add3A_349 = arith.addf %mul3A_348, %sub3A_271 : vector<16xf32>
      %max3A_350 = arith.maximumf %add3A_349, %broadcast_in_dim3A_18 : vector<16xf32>
      %swap3A_351 = arith.constant 197 : i32
      %swap3A_352 = arith.index_cast %swap3A_351 : i32 to index
      %swap3A_353 = arith.constant 0 : index
      %swap3A_354 = tpu.vector_load %arg10[%swap3A_352, %swap3A_353] {strides = array<i32>} : memref<200x16xf32, #tpu.memory_space<vmem>>, vector<1x16xf32>,
      %swap3A_355 = vector.shape_cast %swap3A_354 : vector<1x16xf32> to vector<16xf32>
      %swap3A_356 = vector.shape_cast %max3A_350 : vector<16xf32> to vector<1x16xf32>
      tpu.vector_store %arg10[%swap3A_352, %swap3A_353], %swap3A_356 {strides = array<i32>} : memref<200x16xf32, #tpu.memory_space<vmem>>, vector<1x16xf32>,
      %slice3A_357 = vector.extract_strided_slice %get3A_284 {offsets = [14], sizes = [1], strides = [1]} : vector<16xf32> to vector<1xf32>
      %squeeze3A_358 = vector.extract %slice3A_357[0] : f32 from vector<1xf32>
      %mul3A_359 = vector.broadcast %squeeze3A_358 : f32 to vector<16xf32>
      %mul3A_360 = arith.mulf %mul3A_359, %add3A_14 : vector<16xf32>
      %add3A_361 = arith.addf %mul3A_360, %sub3A_271 : vector<16xf32>
      %max3A_362 = arith.maximumf %add3A_361, %broadcast_in_dim3A_18 : vector<16xf32>
      %swap3A_363 = arith.constant 198 : i32
      %swap3A_364 = arith.index_cast %swap3A_363 : i32 to index
      %swap3A_365 = arith.constant 0 : index
      %swap3A_366 = tpu.vector_load %arg10[%swap3A_364, %swap3A_365] {strides = array<i32>} : memref<200x16xf32, #tpu.memory_space<vmem>>, vector<1x16xf32>,
      %swap3A_367 = vector.shape_cast %swap3A_366 : vector<1x16xf32> to vector<16xf32>
      %swap3A_368 = vector.shape_cast %max3A_362 : vector<16xf32> to vector<1x16xf32>
      tpu.vector_store %arg10[%swap3A_364, %swap3A_365], %swap3A_368 {strides = array<i32>} : memref<200x16xf32, #tpu.memory_space<vmem>>, vector<1x16xf32>,
      %slice3A_369 = vector.extract_strided_slice %get3A_284 {offsets = [15], sizes = [1], strides = [1]} : vector<16xf32> to vector<1xf32>
      %squeeze3A_370 = vector.extract %slice3A_369[0] : f32 from vector<1xf32>
      %mul3A_371 = vector.broadcast %squeeze3A_370 : f32 to vector<16xf32>
      %mul3A_372 = arith.mulf %mul3A_371, %add3A_14 : vector<16xf32>
      %add3A_373 = arith.addf %mul3A_372, %sub3A_271 : vector<16xf32>
      %max3A_374 = arith.maximumf %add3A_373, %broadcast_in_dim3A_18 : vector<16xf32>
      %swap3A_375 = arith.constant 199 : i32
      %swap3A_376 = arith.index_cast %swap3A_375 : i32 to index
      %swap3A_377 = arith.constant 0 : index
      %swap3A_378 = tpu.vector_load %arg10[%swap3A_376, %swap3A_377] {strides = array<i32>} : memref<200x16xf32, #tpu.memory_space<vmem>>, vector<1x16xf32>,
      %swap3A_379 = vector.shape_cast %swap3A_378 : vector<1x16xf32> to vector<16xf32>
      %swap3A_380 = vector.shape_cast %max3A_374 : vector<16xf32> to vector<1x16xf32>
      tpu.vector_store %arg10[%swap3A_376, %swap3A_377], %swap3A_380 {strides = array<i32>} : memref<200x16xf32, #tpu.memory_space<vmem>>, vector<1x16xf32>,
      %dma_wait3A_381 = arith.constant 1 : i32
      %dma_wait3A_382 = arith.constant 0 : i32
      %dma_wait3A_383 = arith.constant 0 : i32
      %dma_wait3A_384 = tpu.memref_slice %arg9[%dma_wait3A_381, %dma_wait3A_382, %dma_wait3A_383] : memref<2x200x128xf32, #tpu.memory_space<vmem>> -> memref<1x104x128xf32, #tpu.memory_space<vmem>>
      %dma_wait3A_385 = tpu.memref_squeeze %dma_wait3A_384 : memref<1x104x128xf32, #tpu.memory_space<vmem>> -> memref<104x128xf32, #tpu.memory_space<vmem>>
      %dma_wait3A_386 = tpu.memref_slice %arg7[%mul3A_87] : memref<25600xi32, #tpu.memory_space<vmem>> -> memref<104xi32, #tpu.memory_space<vmem>>
      %dma_wait3A_387 = arith.constant 0 : i32
      %dma_wait3A_388 = arith.constant 0 : i32
      %dma_wait3A_389 = tpu.memref_slice %arg2[%dma_wait3A_387, %dma_wait3A_388] : memref<100000x128xf32, #tpu.memory_space<hbm>> -> memref<100000x128xf32, #tpu.memory_space<hbm>>
      tpu.wait_indirect_dma semaphore(%arg13 : memref<!tpu.dma_semaphore, #tpu.memory_space<semaphore_mem>>) src(%dma_wait3A_389 : memref<100000x128xf32, #tpu.memory_space<hbm>>) dst(%dma_wait3A_385 : memref<104x128xf32, #tpu.memory_space<vmem>>)
      %dma_wait3A_390 = arith.constant 1 : i32
      %dma_wait3A_391 = arith.constant 104 : i32
      %dma_wait3A_392 = arith.constant 0 : i32
      %dma_wait3A_393 = tpu.memref_slice %arg9[%dma_wait3A_390, %dma_wait3A_391, %dma_wait3A_392] : memref<2x200x128xf32, #tpu.memory_space<vmem>> -> memref<1x96x128xf32, #tpu.memory_space<vmem>>
      %dma_wait3A_394 = tpu.memref_squeeze %dma_wait3A_393 : memref<1x96x128xf32, #tpu.memory_space<vmem>> -> memref<96x128xf32, #tpu.memory_space<vmem>>
      %dma_wait3A_395 = tpu.memref_slice %arg7[%add3A_98] : memref<25600xi32, #tpu.memory_space<vmem>> -> memref<96xi32, #tpu.memory_space<vmem>>
      %dma_wait3A_396 = arith.constant 0 : i32
      %dma_wait3A_397 = arith.constant 0 : i32
      %dma_wait3A_398 = tpu.memref_slice %arg2[%dma_wait3A_396, %dma_wait3A_397] : memref<100000x128xf32, #tpu.memory_space<hbm>> -> memref<100000x128xf32, #tpu.memory_space<hbm>>
      tpu.wait_indirect_dma semaphore(%arg13 : memref<!tpu.dma_semaphore, #tpu.memory_space<semaphore_mem>>) src(%dma_wait3A_398 : memref<100000x128xf32, #tpu.memory_space<hbm>>) dst(%dma_wait3A_394 : memref<96x128xf32, #tpu.memory_space<vmem>>)
      %scan3A_399 = arith.constant 0 : i32
      %scan3A_400 = arith.constant 0 : i32
      %scan3A_401 = arith.constant 25 : i32
      %scan3A_402 = arith.addi %scan3A_400, %scan3A_401 : i32
      %scan3A_403 = arith.constant 1 : i32
      scf.for %scan3A_421 = %scan3A_400 to %scan3A_402 step %scan3A_403  : i32 {
        %mul3A_422 = arith.constant 8 : i32
        %mul3A_423 = arith.muli %scan3A_421, %mul3A_422 : i32
        %add3A_424 = arith.constant 0 : i32
        %add3A_425 = arith.addi %mul3A_423, %add3A_424 : i32
        %get3A_426 = arith.index_cast %add3A_425 : i32 to index
        %get3A_427 = arith.constant 0 : index
        %get3A_428 = tpu.vector_load %arg10[%get3A_426, %get3A_427] {strides = array<i32>} : memref<200x16xf32, #tpu.memory_space<vmem>>, vector<1x16xf32>,
        %get3A_429 = vector.shape_cast %get3A_428 : vector<1x16xf32> to vector<16xf32>
        %add3A_430 = arith.constant 0 : i32
        %add3A_431 = arith.addi %mul3A_423, %add3A_430 : i32
        %swap3A_432 = arith.constant 1 : i32
        %swap3A_433 = arith.index_cast %swap3A_432 : i32 to index
        %swap3A_434 = arith.index_cast %add3A_431 : i32 to index
        %swap3A_435 = arith.constant 112 : index
        %swap3A_436 = tpu.vector_load %arg9[%swap3A_433, %swap3A_434, %swap3A_435] {strides = array<i32>} : memref<2x200x128xf32, #tpu.memory_space<vmem>>, vector<1x1x16xf32>,
        %swap3A_437 = vector.shape_cast %swap3A_436 : vector<1x1x16xf32> to vector<16xf32>
        %swap3A_438 = vector.shape_cast %get3A_429 : vector<16xf32> to vector<1x1x16xf32>
        tpu.vector_store %arg9[%swap3A_433, %swap3A_434, %swap3A_435], %swap3A_438 {strides = array<i32>} : memref<2x200x128xf32, #tpu.memory_space<vmem>>, vector<1x1x16xf32>,
        %add3A_439 = arith.constant 1 : i32
        %add3A_440 = arith.addi %mul3A_423, %add3A_439 : i32
        %get3A_441 = arith.index_cast %add3A_440 : i32 to index
        %get3A_442 = arith.constant 0 : index
        %get3A_443 = tpu.vector_load %arg10[%get3A_441, %get3A_442] {strides = array<i32>} : memref<200x16xf32, #tpu.memory_space<vmem>>, vector<1x16xf32>,
        %get3A_444 = vector.shape_cast %get3A_443 : vector<1x16xf32> to vector<16xf32>
        %add3A_445 = arith.constant 1 : i32
        %add3A_446 = arith.addi %mul3A_423, %add3A_445 : i32
        %swap3A_447 = arith.constant 1 : i32
        %swap3A_448 = arith.index_cast %swap3A_447 : i32 to index
        %swap3A_449 = arith.index_cast %add3A_446 : i32 to index
        %swap3A_450 = arith.constant 112 : index
        %swap3A_451 = tpu.vector_load %arg9[%swap3A_448, %swap3A_449, %swap3A_450] {strides = array<i32>} : memref<2x200x128xf32, #tpu.memory_space<vmem>>, vector<1x1x16xf32>,
        %swap3A_452 = vector.shape_cast %swap3A_451 : vector<1x1x16xf32> to vector<16xf32>
        %swap3A_453 = vector.shape_cast %get3A_444 : vector<16xf32> to vector<1x1x16xf32>
        tpu.vector_store %arg9[%swap3A_448, %swap3A_449, %swap3A_450], %swap3A_453 {strides = array<i32>} : memref<2x200x128xf32, #tpu.memory_space<vmem>>, vector<1x1x16xf32>,
        %add3A_454 = arith.constant 2 : i32
        %add3A_455 = arith.addi %mul3A_423, %add3A_454 : i32
        %get3A_456 = arith.index_cast %add3A_455 : i32 to index
        %get3A_457 = arith.constant 0 : index
        %get3A_458 = tpu.vector_load %arg10[%get3A_456, %get3A_457] {strides = array<i32>} : memref<200x16xf32, #tpu.memory_space<vmem>>, vector<1x16xf32>,
        %get3A_459 = vector.shape_cast %get3A_458 : vector<1x16xf32> to vector<16xf32>
        %add3A_460 = arith.constant 2 : i32
        %add3A_461 = arith.addi %mul3A_423, %add3A_460 : i32
        %swap3A_462 = arith.constant 1 : i32
        %swap3A_463 = arith.index_cast %swap3A_462 : i32 to index
        %swap3A_464 = arith.index_cast %add3A_461 : i32 to index
        %swap3A_465 = arith.constant 112 : index
        %swap3A_466 = tpu.vector_load %arg9[%swap3A_463, %swap3A_464, %swap3A_465] {strides = array<i32>} : memref<2x200x128xf32, #tpu.memory_space<vmem>>, vector<1x1x16xf32>,
        %swap3A_467 = vector.shape_cast %swap3A_466 : vector<1x1x16xf32> to vector<16xf32>
        %swap3A_468 = vector.shape_cast %get3A_459 : vector<16xf32> to vector<1x1x16xf32>
        tpu.vector_store %arg9[%swap3A_463, %swap3A_464, %swap3A_465], %swap3A_468 {strides = array<i32>} : memref<2x200x128xf32, #tpu.memory_space<vmem>>, vector<1x1x16xf32>,
        %add3A_469 = arith.constant 3 : i32
        %add3A_470 = arith.addi %mul3A_423, %add3A_469 : i32
        %get3A_471 = arith.index_cast %add3A_470 : i32 to index
        %get3A_472 = arith.constant 0 : index
        %get3A_473 = tpu.vector_load %arg10[%get3A_471, %get3A_472] {strides = array<i32>} : memref<200x16xf32, #tpu.memory_space<vmem>>, vector<1x16xf32>,
        %get3A_474 = vector.shape_cast %get3A_473 : vector<1x16xf32> to vector<16xf32>
        %add3A_475 = arith.constant 3 : i32
        %add3A_476 = arith.addi %mul3A_423, %add3A_475 : i32
        %swap3A_477 = arith.constant 1 : i32
        %swap3A_478 = arith.index_cast %swap3A_477 : i32 to index
        %swap3A_479 = arith.index_cast %add3A_476 : i32 to index
        %swap3A_480 = arith.constant 112 : index
        %swap3A_481 = tpu.vector_load %arg9[%swap3A_478, %swap3A_479, %swap3A_480] {strides = array<i32>} : memref<2x200x128xf32, #tpu.memory_space<vmem>>, vector<1x1x16xf32>,
        %swap3A_482 = vector.shape_cast %swap3A_481 : vector<1x1x16xf32> to vector<16xf32>
        %swap3A_483 = vector.shape_cast %get3A_474 : vector<16xf32> to vector<1x1x16xf32>
        tpu.vector_store %arg9[%swap3A_478, %swap3A_479, %swap3A_480], %swap3A_483 {strides = array<i32>} : memref<2x200x128xf32, #tpu.memory_space<vmem>>, vector<1x1x16xf32>,
        %add3A_484 = arith.constant 4 : i32
        %add3A_485 = arith.addi %mul3A_423, %add3A_484 : i32
        %get3A_486 = arith.index_cast %add3A_485 : i32 to index
        %get3A_487 = arith.constant 0 : index
        %get3A_488 = tpu.vector_load %arg10[%get3A_486, %get3A_487] {strides = array<i32>} : memref<200x16xf32, #tpu.memory_space<vmem>>, vector<1x16xf32>,
        %get3A_489 = vector.shape_cast %get3A_488 : vector<1x16xf32> to vector<16xf32>
        %add3A_490 = arith.constant 4 : i32
        %add3A_491 = arith.addi %mul3A_423, %add3A_490 : i32
        %swap3A_492 = arith.constant 1 : i32
        %swap3A_493 = arith.index_cast %swap3A_492 : i32 to index
        %swap3A_494 = arith.index_cast %add3A_491 : i32 to index
        %swap3A_495 = arith.constant 112 : index
        %swap3A_496 = tpu.vector_load %arg9[%swap3A_493, %swap3A_494, %swap3A_495] {strides = array<i32>} : memref<2x200x128xf32, #tpu.memory_space<vmem>>, vector<1x1x16xf32>,
        %swap3A_497 = vector.shape_cast %swap3A_496 : vector<1x1x16xf32> to vector<16xf32>
        %swap3A_498 = vector.shape_cast %get3A_489 : vector<16xf32> to vector<1x1x16xf32>
        tpu.vector_store %arg9[%swap3A_493, %swap3A_494, %swap3A_495], %swap3A_498 {strides = array<i32>} : memref<2x200x128xf32, #tpu.memory_space<vmem>>, vector<1x1x16xf32>,
        %add3A_499 = arith.constant 5 : i32
        %add3A_500 = arith.addi %mul3A_423, %add3A_499 : i32
        %get3A_501 = arith.index_cast %add3A_500 : i32 to index
        %get3A_502 = arith.constant 0 : index
        %get3A_503 = tpu.vector_load %arg10[%get3A_501, %get3A_502] {strides = array<i32>} : memref<200x16xf32, #tpu.memory_space<vmem>>, vector<1x16xf32>,
        %get3A_504 = vector.shape_cast %get3A_503 : vector<1x16xf32> to vector<16xf32>
        %add3A_505 = arith.constant 5 : i32
        %add3A_506 = arith.addi %mul3A_423, %add3A_505 : i32
        %swap3A_507 = arith.constant 1 : i32
        %swap3A_508 = arith.index_cast %swap3A_507 : i32 to index
        %swap3A_509 = arith.index_cast %add3A_506 : i32 to index
        %swap3A_510 = arith.constant 112 : index
        %swap3A_511 = tpu.vector_load %arg9[%swap3A_508, %swap3A_509, %swap3A_510] {strides = array<i32>} : memref<2x200x128xf32, #tpu.memory_space<vmem>>, vector<1x1x16xf32>,
        %swap3A_512 = vector.shape_cast %swap3A_511 : vector<1x1x16xf32> to vector<16xf32>
        %swap3A_513 = vector.shape_cast %get3A_504 : vector<16xf32> to vector<1x1x16xf32>
        tpu.vector_store %arg9[%swap3A_508, %swap3A_509, %swap3A_510], %swap3A_513 {strides = array<i32>} : memref<2x200x128xf32, #tpu.memory_space<vmem>>, vector<1x1x16xf32>,
        %add3A_514 = arith.constant 6 : i32
        %add3A_515 = arith.addi %mul3A_423, %add3A_514 : i32
        %get3A_516 = arith.index_cast %add3A_515 : i32 to index
        %get3A_517 = arith.constant 0 : index
        %get3A_518 = tpu.vector_load %arg10[%get3A_516, %get3A_517] {strides = array<i32>} : memref<200x16xf32, #tpu.memory_space<vmem>>, vector<1x16xf32>,
        %get3A_519 = vector.shape_cast %get3A_518 : vector<1x16xf32> to vector<16xf32>
        %add3A_520 = arith.constant 6 : i32
        %add3A_521 = arith.addi %mul3A_423, %add3A_520 : i32
        %swap3A_522 = arith.constant 1 : i32
        %swap3A_523 = arith.index_cast %swap3A_522 : i32 to index
        %swap3A_524 = arith.index_cast %add3A_521 : i32 to index
        %swap3A_525 = arith.constant 112 : index
        %swap3A_526 = tpu.vector_load %arg9[%swap3A_523, %swap3A_524, %swap3A_525] {strides = array<i32>} : memref<2x200x128xf32, #tpu.memory_space<vmem>>, vector<1x1x16xf32>,
        %swap3A_527 = vector.shape_cast %swap3A_526 : vector<1x1x16xf32> to vector<16xf32>
        %swap3A_528 = vector.shape_cast %get3A_519 : vector<16xf32> to vector<1x1x16xf32>
        tpu.vector_store %arg9[%swap3A_523, %swap3A_524, %swap3A_525], %swap3A_528 {strides = array<i32>} : memref<2x200x128xf32, #tpu.memory_space<vmem>>, vector<1x1x16xf32>,
        %add3A_529 = arith.constant 7 : i32
        %add3A_530 = arith.addi %mul3A_423, %add3A_529 : i32
        %get3A_531 = arith.index_cast %add3A_530 : i32 to index
        %get3A_532 = arith.constant 0 : index
        %get3A_533 = tpu.vector_load %arg10[%get3A_531, %get3A_532] {strides = array<i32>} : memref<200x16xf32, #tpu.memory_space<vmem>>, vector<1x16xf32>,
        %get3A_534 = vector.shape_cast %get3A_533 : vector<1x16xf32> to vector<16xf32>
        %add3A_535 = arith.constant 7 : i32
        %add3A_536 = arith.addi %mul3A_423, %add3A_535 : i32
        %swap3A_537 = arith.constant 1 : i32
        %swap3A_538 = arith.index_cast %swap3A_537 : i32 to index
        %swap3A_539 = arith.index_cast %add3A_536 : i32 to index
        %swap3A_540 = arith.constant 112 : index
        %swap3A_541 = tpu.vector_load %arg9[%swap3A_538, %swap3A_539, %swap3A_540] {strides = array<i32>} : memref<2x200x128xf32, #tpu.memory_space<vmem>>, vector<1x1x16xf32>,
        %swap3A_542 = vector.shape_cast %swap3A_541 : vector<1x1x16xf32> to vector<16xf32>
        %swap3A_543 = vector.shape_cast %get3A_534 : vector<16xf32> to vector<1x1x16xf32>
        tpu.vector_store %arg9[%swap3A_538, %swap3A_539, %swap3A_540], %swap3A_543 {strides = array<i32>} : memref<2x200x128xf32, #tpu.memory_space<vmem>>, vector<1x1x16xf32>,
      }
      %scan3A_404 = arith.constant 25 : i32
      %mul3A_405 = arith.constant 200 : i32
      %mul3A_406 = arith.muli %add3A_57, %mul3A_405 : i32
      %add3A_407 = arith.addi %mul3A_2, %mul3A_406 : i32
      %dma_start3A_408 = arith.constant 1 : i32
      %dma_start3A_409 = arith.constant 0 : i32
      %dma_start3A_410 = arith.constant 0 : i32
      %dma_start3A_411 = tpu.memref_slice %arg9[%dma_start3A_408, %dma_start3A_409, %dma_start3A_410] : memref<2x200x128xf32, #tpu.memory_space<vmem>> -> memref<1x200x128xf32, #tpu.memory_space<vmem>>
      %dma_start3A_412 = tpu.memref_squeeze %dma_start3A_411 : memref<1x200x128xf32, #tpu.memory_space<vmem>> -> memref<200x128xf32, #tpu.memory_space<vmem>>
      %dma_start3A_413 = arith.constant 0 : i32
      %dma_start3A_414 = tpu.memref_slice %arg6[%add3A_407, %dma_start3A_413] : memref<819200x128xf32, #tpu.memory_space<hbm>> -> memref<200x128xf32, #tpu.memory_space<hbm>>
      %dma_start3A_415 = arith.constant 0 : i32
      %dma_start3A_416 = tpu.memref_slice %arg6[%add3A_407, %dma_start3A_415] : memref<819200x128xf32, #tpu.memory_space<hbm>> -> memref<200x128xf32, #tpu.memory_space<hbm>>
      %dma_start3A_417 = arith.constant 0 : i32
      %dma_start3A_418 = arith.constant 0 : i32
      %dma_start3A_419 = tpu.memref_slice %arg9[%dma_start3A_408, %dma_start3A_417, %dma_start3A_418] : memref<2x200x128xf32, #tpu.memory_space<vmem>> -> memref<1x200x128xf32, #tpu.memory_space<vmem>>
      %dma_start3A_420 = tpu.memref_squeeze %dma_start3A_419 : memref<1x200x128xf32, #tpu.memory_space<vmem>> -> memref<200x128xf32, #tpu.memory_space<vmem>>
      tpu.enqueue_dma source(%dma_start3A_420 : memref<200x128xf32, #tpu.memory_space<vmem>>) target(%dma_start3A_416 : memref<200x128xf32, #tpu.memory_space<hbm>>) target_semaphore(%arg15 : memref<!tpu.dma_semaphore, #tpu.memory_space<semaphore_mem>>)
    }
    %scan3A_23 = arith.constant 64 : i32
    %add3A_24 = arith.constant 0 : i32
    %add3A_25 = arith.addi %mul3A_2, %add3A_24 : i32
    %dma_wait3A = arith.constant 0 : i32
    %dma_wait3A_26 = arith.constant 0 : i32
    %dma_wait3A_27 = arith.constant 0 : i32
    %dma_wait3A_28 = tpu.memref_slice %arg9[%dma_wait3A, %dma_wait3A_26, %dma_wait3A_27] : memref<2x200x128xf32, #tpu.memory_space<vmem>> -> memref<1x200x128xf32, #tpu.memory_space<vmem>>
    %dma_wait3A_29 = tpu.memref_squeeze %dma_wait3A_28 : memref<1x200x128xf32, #tpu.memory_space<vmem>> -> memref<200x128xf32, #tpu.memory_space<vmem>>
    %dma_wait3A_30 = arith.constant 0 : i32
    %dma_wait3A_31 = tpu.memref_slice %arg6[%add3A_25, %dma_wait3A_30] : memref<819200x128xf32, #tpu.memory_space<hbm>> -> memref<200x128xf32, #tpu.memory_space<hbm>>
    %dma_wait3A_32 = arith.constant 0 : i32
    %dma_wait3A_33 = tpu.memref_slice %arg6[%add3A_25, %dma_wait3A_32] : memref<819200x128xf32, #tpu.memory_space<hbm>> -> memref<200x128xf32, #tpu.memory_space<hbm>>
    %dma_wait3A_34 = arith.constant 0 : i32
    %dma_wait3A_35 = arith.constant 0 : i32
    %dma_wait3A_36 = tpu.memref_slice %arg9[%dma_wait3A, %dma_wait3A_34, %dma_wait3A_35] : memref<2x200x128xf32, #tpu.memory_space<vmem>> -> memref<1x200x128xf32, #tpu.memory_space<vmem>>
    %dma_wait3A_37 = tpu.memref_squeeze %dma_wait3A_36 : memref<1x200x128xf32, #tpu.memory_space<vmem>> -> memref<200x128xf32, #tpu.memory_space<vmem>>
    tpu.wait_dma2 semaphore(%arg14 : memref<!tpu.dma_semaphore, #tpu.memory_space<semaphore_mem>>) src(%dma_wait3A_37 : memref<200x128xf32, #tpu.memory_space<vmem>>) dst(%dma_wait3A_33 : memref<200x128xf32, #tpu.memory_space<hbm>>)
    %add3A_38 = arith.constant 0 : i32
    %add3A_39 = arith.addi %mul3A_2, %add3A_38 : i32
    %dma_wait3A_40 = arith.constant 1 : i32
    %dma_wait3A_41 = arith.constant 0 : i32
    %dma_wait3A_42 = arith.constant 0 : i32
    %dma_wait3A_43 = tpu.memref_slice %arg9[%dma_wait3A_40, %dma_wait3A_41, %dma_wait3A_42] : memref<2x200x128xf32, #tpu.memory_space<vmem>> -> memref<1x200x128xf32, #tpu.memory_space<vmem>>
    %dma_wait3A_44 = tpu.memref_squeeze %dma_wait3A_43 : memref<1x200x128xf32, #tpu.memory_space<vmem>> -> memref<200x128xf32, #tpu.memory_space<vmem>>
    %dma_wait3A_45 = arith.constant 0 : i32
    %dma_wait3A_46 = tpu.memref_slice %arg6[%add3A_39, %dma_wait3A_45] : memref<819200x128xf32, #tpu.memory_space<hbm>> -> memref<200x128xf32, #tpu.memory_space<hbm>>
    %dma_wait3A_47 = arith.constant 0 : i32
    %dma_wait3A_48 = tpu.memref_slice %arg6[%add3A_39, %dma_wait3A_47] : memref<819200x128xf32, #tpu.memory_space<hbm>> -> memref<200x128xf32, #tpu.memory_space<hbm>>
    %dma_wait3A_49 = arith.constant 0 : i32
    %dma_wait3A_50 = arith.constant 0 : i32
    %dma_wait3A_51 = tpu.memref_slice %arg9[%dma_wait3A_40, %dma_wait3A_49, %dma_wait3A_50] : memref<2x200x128xf32, #tpu.memory_space<vmem>> -> memref<1x200x128xf32, #tpu.memory_space<vmem>>
    %dma_wait3A_52 = tpu.memref_squeeze %dma_wait3A_51 : memref<1x200x128xf32, #tpu.memory_space<vmem>> -> memref<200x128xf32, #tpu.memory_space<vmem>>
    tpu.wait_dma2 semaphore(%arg15 : memref<!tpu.dma_semaphore, #tpu.memory_space<semaphore_mem>>) src(%dma_wait3A_52 : memref<200x128xf32, #tpu.memory_space<vmem>>) dst(%dma_wait3A_48 : memref<200x128xf32, #tpu.memory_space<hbm>>)
    return
  }
}

module attributes {stable_mosaic.version = 14 : i64} {
  func.func @body(%arg0: i32, %arg1: memref<112x8192xf32, #tpu.memory_space<vmem>>, %arg2: memref<8192x128xf32, #tpu.memory_space<vmem>>) attributes {dimension_semantics = [#tpu.dimension_semantics<arbitrary>], iteration_bounds = array<i64: 13>, scalar_prefetch = 0 : i64, scratch_operands = 0 : i64, tpu.core_type = #tpu.core_type<tc>, window_params = [{transform_indices = @transform_0, window_bounds = array<i64: 112, 8192>}, {transform_indices = @transform_1, window_bounds = array<i64: 8192, 128>}]} {
    %get3A = arith.constant 0 : index
    %get3A_0 = arith.constant 0 : index
    %get3A_1 = vector.load %arg1[%get3A, %get3A_0] : memref<112x8192xf32, #tpu.memory_space<vmem>>, vector<112x8192xf32>
    %transpose3A = tpu.transpose %get3A_1, [1, 0] : vector<112x8192xf32> -> vector<8192x112xf32>
    %swap3A = arith.constant 0 : index
    %swap3A_2 = arith.constant 0 : index
    %swap3A_3 = vector.load %arg2[%swap3A, %swap3A_2] : memref<8192x128xf32, #tpu.memory_space<vmem>>, vector<8192x112xf32>
    tpu.vector_store %arg2[%swap3A, %swap3A_2], %transpose3A {strides = array<i32>} : memref<8192x128xf32, #tpu.memory_space<vmem>>, vector<8192x112xf32>,
    %broadcast_in_dim3A = arith.constant 0.000000e+00 : f32
    %broadcast_in_dim3A_4 = vector.broadcast %broadcast_in_dim3A : f32 to vector<8192x16xf32>
    %swap3A_5 = arith.constant 0 : index
    %swap3A_6 = arith.constant 112 : index
    %swap3A_7 = vector.load %arg2[%swap3A_5, %swap3A_6] : memref<8192x128xf32, #tpu.memory_space<vmem>>, vector<8192x16xf32>
    tpu.vector_store %arg2[%swap3A_5, %swap3A_6], %broadcast_in_dim3A_4 {strides = array<i32>} : memref<8192x128xf32, #tpu.memory_space<vmem>>, vector<8192x16xf32>,
    return
  }
  func.func @transform_0(%arg0: i32) -> (i32, i32) {
    %c0_i32 = arith.constant 0 : i32
    %c0_i32_0 = arith.constant 0 : i32
    return %c0_i32, %arg0 : i32, i32
  }
  func.func @transform_1(%arg0: i32) -> (i32, i32) {
    %c0_i32 = arith.constant 0 : i32
    %c0_i32_0 = arith.constant 0 : i32
    return %arg0, %c0_i32 : i32, i32
  }
}

</mosaic_0001>

<sc_bundles>
// kernel: _run.4.cloned.1.call-start
scs
__scs_entry_jumppad:
0x0: {  	(pc) =	sbr.rel $0x88, $3  }
0x1: {  	(tag) =	ssettag $0x0;
	lr =	simm.s32 $0x1  }
0x2: {  	[smem:$0x3F9C] =	sst lr;
	_ =	strace $0xD0000000  }
0x3: {  	_ = 	snop  }
0x4: {  	_ = 	snop  }
0x5: {  	_ = 	snop  }
0x6: {  	_ = 	snop  }
0x7: {  	_ = 	snop  }
__scs_overlays_trampoline_lowered:
0x8: {  	[smem:$0x3FAB] =	sst s0  }
0x9: {  	[smem:$0x3FAC] =	sst s1  }
0xa: {  	[smem:$0x3FAD] =	sst s2  }
0xb: {  	[smem:$0x3FAE] =	sst s3  }
0xc: {  	[smem:$0x3FAF] =	sst s4  }
0xd: {  	[smem:$0x3FB0] =	sst s5  }
0xe: {  	[smem:$0x3FB1] =	sst s6  }
0xf: {  	[smem:$0x3FB2] =	sst s7  }
0x10: {  	[smem:$0x3FB3] =	sst s8  }
0x11: {  	[smem:$0x3FB4] =	sst s9;
	s0 =	simm.s32 @!p0 $0x0  }
0x12: {  	s1 =	sld [smem:$0x3F9A];
	s0 =	simm.s32 @p0 $0x1  }
0x13: {  	[smem:$0x3FB5] =	sst s0;
	s0 =	simm.s32 @!p1 $0x0  }
0x14: {  	s2 =	sld [smem:$0x3F99];
	s0 =	simm.s32 @p1 $0x1  }
0x15: {  	[smem:$0x3FB6] =	sst s0;
	s0 =	simm.s32 @!p2 $0x0  }
0x16: {  	s3 =	sld [smem:$0x3FDB];
	s0 =	simm.s32 @p2 $0x1  }
0x17: {  	s4 =	simm.s32 $0x1BF5;
	[smem:$0x3FB8] =	sst s0  }
0x18: {  	s0 =	sld [smem:$0x3F9B];
	_ =	swait.ge [sflag:s4], $0x0  }
0x19: {  	s7 =	sld [smem:$0x3F9C]  }
0x1a: {  	s8 =	sadd.s32 $0xFFFFE003, lr  }
0x1b: {  	s9 =	sadd.s32 $0xFFFFFEF7, lr;
	s5 =	simm.s32 $0xFFFFFFFF;
	p2 =	slt.u32 s8, $0xFFFFF086  }
0x1c: {  	p1 =	slt.u32 s9, $0xF7A;
	s5 =	simm.s32 @!p2 $0x0  }
0x1d: {  	s5 =	simm.s32 @p1 $0x1;
	p0 =	seq.s32 s7, s2  }
0x1e: {  	s7 =	smul.u32 @!p0 $0xF7A, s2;
	p2 =	seq.s32 @!p0 s5, $0x0  }
0x1f: {  	s9 =	smul.u32 $0xF7A, s1;
	s8 =	simm.s32 @!p0 $0x1BF5;
	p2 =	por !p2, p0  }
0x20: {  	[sflag:s8] =	ssyncset.s32 @!p0 $0xFFFFF086;
	s6 =	sadd.s32 @!p0 s3, s7;
	s7 =	simm.s32 @!p0 $0x108  }
0x21: {  	s3 =	sadd.s32 s3, s9;
	s6 =	sadd.s32 @!p0 $0x88, s6;
	s7 =	simm.s32 @p2 $0x1082  }
0x22: {  	[simem:s7], [sflag:s8] =	dma.local @!p0 [hbm:s6], $0xF7A  }
0x23: {  	s9 =	sor.u32 $0xD0000000, s2;
	s6 =	simm.s32 $0x108;
	_ =	swait.ge @!p0 [sflag:s8], $0x0  }
0x24: {  	s3 =	sadd.s32 $0x88, s3;
	s6 =	simm.s32 @!p1 $0x1082;
	[sflag:s4] =	ssyncset.s32 $0xFFFFF086  }
0x25: {  	[simem:s6], [sflag:s4] =	dma.local [hbm:s3], $0xF7A  }
0x26: {  	[smem:$0x3F9C] =	sst s1;
	(tag) =	ssettag s2;
	_ =	strace s9  }
0x27: {  	s1 =	sld [smem:$0x3FAC]  }
0x28: {  	s2 =	sld [smem:$0x3FAD]  }
0x29: {  	s4 =	sld [smem:$0x3FAF]  }
0x2a: {  	p0 =	seq.s32 s5, $0x0;
	s5 =	sld [smem:$0x3FB0]  }
0x2b: {  	s6 =	sld [smem:$0x3FB1]  }
0x2c: {  	s7 =	sld [smem:$0x3FB2]  }
0x2d: {  	s3 =	simm.s32 $0x108;
	s8 =	sld [smem:$0x3FB3]  }
0x2e: {  	s3 =	simm.s32 @!p0 $0x1082;
	s9 =	sld [smem:$0x3FB4]  }
0x2f: {  	lr =	sadd.s32 s0, s3;
	s0 =	sld [smem:$0x3FAB]  }
0x30: {  	s3 =	sld [smem:$0x3FAE]  }
0x31: {  	[smem:$0x3FB7] =	sst s10  }
0x32: {  	s10 =	sld [smem:$0x3FB5];
	_ =	sdelay $0x3  }
0x33: {  	p0 =	seq.s32 s10, $0x1;
	s10 =	sld [smem:$0x3FB7];
	_ =	sdelay $0x3  }
0x34: {  	[smem:$0x3FB7] =	sst s10  }
0x35: {  	s10 =	sld [smem:$0x3FB6];
	_ =	sdelay $0x3  }
0x36: {  	p1 =	seq.s32 s10, $0x1;
	s10 =	sld [smem:$0x3FB7];
	_ =	sdelay $0x3  }
0x37: {  	[smem:$0x3FB7] =	sst s10  }
0x38: {  	s10 =	sld [smem:$0x3FB8]  }
0x39: {  	_ = 	snop;
	(pc) =	sbr.ind lr, $3  }
0x3a: {  	_ = 	snop  }
0x3b: {  	_ = 	snop  }
0x3c: {  	p2 =	seq.s32 s10, $0x1;
	s10 =	sld [smem:$0x3FB7]  }
0x3d: {  	_ =	shalt  }
0x3e: {  	_ =	shalt  }
0x3f: {  	_ =	shalt  }
0x40: {  	_ =	shalt  }
0x41: {  	_ =	shalt  }
0x42: {  	_ =	shalt  }
0x43: {  	_ =	shalt  }
0x44: {  	_ =	shalt  }
0x45: {  	_ =	shalt  }
0x46: {  	_ =	shalt  }
0x47: {  	_ =	shalt  }
0x48: {  	_ =	shalt  }
0x49: {  	_ =	shalt  }
0x4a: {  	_ =	shalt  }
0x4b: {  	_ =	shalt  }
0x4c: {  	_ =	shalt  }
0x4d: {  	_ =	shalt  }
0x4e: {  	_ =	shalt  }
0x4f: {  	_ =	shalt  }
0x50: {  	_ =	shalt  }
0x51: {  	_ =	shalt  }
0x52: {  	_ =	shalt  }
0x53: {  	_ =	shalt  }
0x54: {  	_ =	shalt  }
0x55: {  	_ =	shalt  }
0x56: {  	_ =	shalt  }
0x57: {  	_ =	shalt  }
0x58: {  	_ =	shalt  }
0x59: {  	_ =	shalt  }
0x5a: {  	_ =	shalt  }
0x5b: {  	_ =	shalt  }
0x5c: {  	_ =	shalt  }
0x5d: {  	_ =	shalt  }
0x5e: {  	_ =	shalt  }
0x5f: {  	_ =	shalt  }
0x60: {  	_ =	shalt  }
0x61: {  	_ =	shalt  }
0x62: {  	_ =	shalt  }
0x63: {  	_ =	shalt  }
0x64: {  	_ =	shalt  }
0x65: {  	_ =	shalt  }
0x66: {  	_ =	shalt  }
0x67: {  	_ =	shalt  }
0x68: {  	_ =	shalt  }
0x69: {  	_ =	shalt  }
0x6a: {  	_ =	shalt  }
0x6b: {  	_ =	shalt  }
0x6c: {  	_ =	shalt  }
0x6d: {  	_ =	shalt  }
0x6e: {  	_ =	shalt  }
0x6f: {  	_ =	shalt  }
0x70: {  	_ =	shalt  }
0x71: {  	_ =	shalt  }
0x72: {  	_ =	shalt  }
0x73: {  	_ =	shalt  }
0x74: {  	_ =	shalt  }
0x75: {  	_ =	shalt  }
0x76: {  	_ =	shalt  }
0x77: {  	_ =	shalt  }
0x78: {  	_ =	shalt  }
0x79: {  	_ =	shalt  }
0x7a: {  	_ =	shalt  }
0x7b: {  	_ =	shalt  }
0x7c: {  	_ =	shalt  }
0x7d: {  	_ =	shalt  }
0x7e: {  	_ =	shalt  }
0x7f: {  	_ =	shalt  }
0x80: {  	_ =	shalt  }
0x81: {  	_ =	shalt  }
0x82: {  	_ =	shalt  }
0x83: {  	_ =	shalt  }
0x84: {  	_ =	shalt  }
0x85: {  	_ =	shalt  }
0x86: {  	_ =	shalt  }
0x87: {  	_ =	shalt  }
.Lfunc_end0:
.L_simem_size_0:
called_computation_lowered:
.L_overlay_start_0:
0x88: {  	s2 =	sld [smem:$0x3FD9]  }
0x89: {  	s3 =	sld [smem:$0x3FFE];
	_ =	sdelay $0x1  }
0x8a: {  	s1 =	srdreg.scid  }
0x8b: {  	s0 =	sand.u32 $0x1, s1  }
0x8c: {  	s17 =	sshll.u32 s0, $0xA;
	s2 =	sadd.s32 s3, s2  }
0x8d: {  	s2 =	sadd.s32 s2, s17  }
0x8e: {  	[smem:$0x3FC3] =	sst s2  }
0x8f: {  	_ = 	snop  }
0x90: {  	s2 =	sld [smem:$0x3FC8]  }
0x91: {  	s18 =	sld [smem:$0x3FC7]  }
0x92: {  	s4 =	sld [smem:$0x3FD0];
	(tm) =	ssettm $0x1  }
0x93: {  	s5 =	sld [smem:$0x3FFB];
	_ =	sdelay $0x3  }
0x94: {  	_ =	strace s5  }
0x95: {  	s5 =	sld [smem:$0x3FFC];
	_ =	sdelay $0x3  }
0x96: {  	_ =	strace s5  }
0x97: {  	s5 =	sld [smem:$0x3FFD];
	_ =	sdelay $0x3  }
0x98: {  	_ =	strace s5  }
0x99: {  	_ =	strace $0x8FFFFFFF  }
0x9a: {  	s19 =	sld [smem:$0x3FDB];
	_ =	sdelay $0x1  }
0x9b: {  	s6 =	simm.s32 $_scs_section_size  }
0x9c: {  	s7 =	simm.s32 $_size__tile_overlayer_lowered;
	s8 =	simm.s32 $_tile_overlayer_lowered  }
0x9d: {  	s22 =	simm.s32 $0x1BFF;
	s21 =	sshll.u32 s8, $0x1;
	s5 =	sadd.s32 s6, s19  }
0x9e: {  	s9 =	simm.s32 $0x0;
	s20 =	sshll.u32 s7, $0x1;
	s7 =	sadd.s32 s21, s5  }
0x9f: {  	[timem:s9], [sflag:s22] =	dma.local [hbm:s7], s20  }
0xa0: {  	_ =	swait.ge [sflag:s22], s20  }
0xa1: {  	s6 =	ssub.s32 $0x0, s20;
	[sflag:s22] =	ssyncset.done $0x0  }
0xa2: {  	[sflag:s22] =	ssyncadd.s32 s6;
	_ =	sdelay $0x1  }
0xa3: {  	s23 =	simm.s32 $0x1B8B  }
0xa4: {  	_ =	swait.ge [sflag:s23], $0x1  }
0xa5: {  	[sflag:s23] =	ssyncset.done $0x0  }
0xa6: {  	s25 =	simm.s32 $0x1B8E;
	s24 =	sld [smem:$0x3FFE];
	[sflag:s23] =	ssyncadd.s32 $0xFFFFFFFF  }
0xa7: {  	s26 =	simm.s32 $execute0_lowered;
	[smem:$0x3FD2] =	sst s25  }
0xa8: {  	s7 =	sshll.u32 s26, $0x1;
	_ =	strace $0x80000046;
	[dreg:$0x1] =	wrdreg $0xFFFFFFFF  }
0xa9: {  	s28 =	simm.s32 $_size_execute0_lowered;
	s5 =	sadd.s32 s5, s7;
	[dreg:$0x0] =	wrdreg $0x0  }
0xaa: {  	s7 =	sshll.u32 s28, $0x1;
	[dreg:$0x2] =	wrdreg s5  }
0xab: {  	[dreg:$0x3] =	wrdreg s7  }
0xac: {  	[dreg:$0x4] =	wrdreg $0xC0  }
0xad: {  	_ =	task [dreg:s9], $0x5FFFF  }
0xae: {  	[dreg:$0x1] =	wrdreg $0xFFFFFFFF  }
0xaf: {  	[dreg:$0x0] =	wrdreg $0x60  }
0xb0: {  	[dreg:$0x2] =	wrdreg s24  }
0xb1: {  	[dreg:$0x3] =	wrdreg s2  }
0xb2: {  	[dreg:$0x4] =	wrdreg s18  }
0xb3: {  	[dreg:$0x5] =	wrdreg s4  }
0xb4: {  	[dreg:$0x6] =	wrdreg $0x9  }
0xb5: {  	_ =	task.clear_ibuf [dreg:s9], $0x7FFFF;
	_ =	strace $0x90000046  }
0xb6: {  	s29 =	simm.s32 $0x9;
	_ =	strace $0x80000048  }
0xb7: {  	_ =	swait.ge [sflag:s29], $0x1  }
0xb8: {  	[sflag:s29] =	ssyncadd.s32 $0xFFFFFFFF  }
0xb9: {  	_ =	strace $0x90000048  }
0xba: {  	_ =	sfence  }
0xbb: {  	s30 =	sld [smem:$0x0];
	_ =	sdelay $0x2  }
0xbc: {  	s31 =	sshll.u32 s1, $0xD;
	s1 =	sshrl.u32 s1, $0x2  }
0xbd: {  	s3 =	sand.u32 $0x4000, s31;
	s1 =	sadd.s32 s1, s30  }
0xbe: {  	s0 =	sor.u32 s3, s0;
	s1 =	sshll.u32 s1, $0x11  }
0xbf: {  	s0 =	sor.u32 s1, s0  }
0xc0: {  	s0 =	sadd.s32 $0x8F2B, s0  }
0xc1: {  	[sflag:s0] =	ssyncadd.remote.s32 $0x1  }
0xc2: {  	_ =	sfence.sel $0xFFFF  }
0xc3: {  	[dreg:$0x0] =	wrdreg $0xFFFFFFFF;
	(pc) =	sbr.abs _section_cstart, $3  }
0xc4: {  	[dreg:$0x1] =	wrdreg $0xFFFFFFFF  }
0xc5: {  	_ =	task.clear_ibuf [dreg:s9], $0x2FFFF;
	_ =	strace $0x9FFFFFFF  }
0xc6: {  	(tm) =	ssettm $0x7FFFFFFF  }
0xc7: {  	_ =	shalt  }
tec
execute0_lowered:
.L_overlay_start_1:
0x0: {  	(tag) =	ssettag $0x1  }
0x1: {  	s6 =	rddreg [dreg:$0x0]  }
0x2: {  	s7 =	rddreg [dreg:$0x1]  }
0x3: {  	s8 =	rddreg [dreg:$0x2];
	s1 =	srdreg.scid  }
0x4: {  	s0 =	stileid.u32;
	s2 =	rddreg [dreg:$0x3]  }
0x5: {  	s3 =	simm.s32 $0x0;
	s12 =	simm.s32 $0x6400;
	s13 =	simm.s32 $0x68  }
0x6: {  	s14 =	simm.s32 $0x12C00;
	s15 =	simm.s32 $0x60;
	s16 =	simm.s32 $0x16000  }
0x7: {  	s17 =	simm.s32 $0x1;
	s18 =	simm.s32 $0xC800;
	s19 =	simm.s32 $0x2  }
0x8: {  	s20 =	simm.s32 $0x3;
	s21 =	simm.s32 $0x4;
	s22 =	simm.s32 $0x0  }
0x9: {  	s5 =	sand.u32 $0x1, s1;
	s4 =	sshll.u32 s0, $0x1;
	s1 =	rddreg [dreg:$0x4]  }
0xa: {  	[smem:$0x7FF] =	sst s3;
	s4 =	sor.u32 s5, s4;
	s9 =	ssub.s32 $0x2, s5  }
0xb: {  	_ =	strace $0x80000047;
	s4 =	smul.u32 $0x6400, s4;
	s10 =	sshrl.u32 s9, $0x1  }
0xc: {  	s5 =	sadd.s32 $0x800, s6;
	s6 =	sadd.s32 $0x187200, s6;
	s9 =	ssub.s32 s9, s10  }
0xd: {  	s10 =	simm.s32 $0x1F400;
	s11 =	sshrl.u32 s4, $0x3;
	s9 =	smax.u32 s9, $0x1  }
0xe: {  	s7 =	sadd.s32 s7, s11;
	s8 =	sadd.s32 s8, s11;
	s11 =	simm.s32 $0x5  }
.LBB2_1:
0xf: {  	[tilespmem:s10], [sflag:$0x5] =	stream.linear.gather [hbm4b:s6+s3], $0x80, $0x38;
	[tilespmem:$0x1F480] =	vst v63  }
0x10: {  	_ =	swait.ge [sflag:s11], $0x80  }
0x11: {  	[sflag:s11] =	ssyncset.done $0x0  }
0x12: {  	[sflag:s11] =	ssyncadd.s32 $0xFFFFFF80  }
0x13: {  	[tilespmem:s3], [sflag:$0x5] =	stream.linear.gather [hbm4b:s7+s3], $0x6400, $0x38;
	[tilespmem:$0x1F480] =	vst v63  }
0x14: {  	_ =	swait.ge [sflag:s11], $0x6400  }
0x15: {  	[sflag:s11] =	ssyncset.done $0x0  }
0x16: {  	[sflag:s11] =	ssyncadd.s32 $0xFFFF9C00  }
0x17: {  	[tilespmem:s12], [sflag:$0x5] =	stream.linear.gather [hbm4b:s8+s3], $0x6400, $0x38;
	[tilespmem:$0x1F480] =	vst v63  }
0x18: {  	_ =	swait.ge [sflag:s11], $0x6400  }
0x19: {  	[sflag:s11] =	ssyncset.done $0x0  }
0x1a: {  	[sflag:s11] =	ssyncadd.s32 $0xFFFF9C00  }
0x1b: {  	v0 =	vld [tilespmem:$0x1F410]  }
0x1c: {  	v1 =	vld [tilespmem:$0x1F400];
	_ =	sdelay $0x4  }
0x1d: {  	v0 =	vmul.f32 $3.858024800e-07, v0;
	v1 =	vmul.f32 $3.170979210e-08, v1;
	_ =	sdelay $0x1  }
0x1e: {  	s23 =	simm.s32 $0x0;
	v2 =	vld [tilespmem:$0x1F420];
	v1 =	vadd.f32 v1, v0  }
.LBB2_2:
0x1f: {  	p0 =	sne.s32 s23, $0x0  }
0x20: {  	s24 =	simm.s32 @p0 $0x3  }
0x21: {  	_ =	swait.ge @p0 [sflag:s24], $0x6400  }
0x22: {  	s25 =	smul.u32 @p0 $0x190, s23;
	[sflag:s24] =	ssyncset.done @p0 $0x0  }
0x23: {  	s26 =	simm.s32 @p0 $0xC800;
	[sflag:s24] =	ssyncadd.s32 @p0 $0xFFFF9C00;
	s24 =	simm.s32 @p0 $0x68  }
0x24: {  	[tilespmem:s26], [sflag:$0x1] =	stream.indirect.gather @p0 [hbm4b:s5+s24], $0x80, s25, s24, $0xb8;
	[tilespmem:$0x1F480] =	vst v63  }
0x25: {  	s28 =	simm.s32 @p0 $0xFC00;
	s24 =	sadd.s32 @p0 $0x68, s25;
	s26 =	simm.s32 @p0 $0x60  }
0x26: {  	[tilespmem:s28], [sflag:$0x1] =	stream.indirect.gather @p0 [hbm4b:s5+s26], $0x80, s24, s26, $0xb8;
	[tilespmem:$0x1F480] =	vst v63  }
0x27: {  	s24 =	simm.s32 @p0 $0x4  }
0x28: {  	_ =	swait.ge @p0 [sflag:s24], $0x6400  }
0x29: {  	s25 =	simm.s32 @!p0 $0x0;
	s26 =	simm.s32 @!p0 $0x0;
	[sflag:s24] =	ssyncset.done @p0 $0x0  }
0x2a: {  	s28 =	simm.s32 @!p0 $0xC800;
	[sflag:s24] =	ssyncadd.s32 @p0 $0xFFFF9C00;
	s24 =	simm.s32 @!p0 $0x68  }
0x2b: {  	[tilespmem:s28], [sflag:$0x1] =	stream.indirect.gather @!p0 [hbm4b:s5+s24], $0x80, s26, s24, $0xb8;
	[tilespmem:$0x1F480] =	vst v63  }
0x2c: {  	s31 =	sadd.s32 $0x6400, s25;
	s26 =	simm.s32 @!p0 $0x60;
	s28 =	simm.s32 @!p0 $0xFC00  }
0x2d: {  	[tilespmem:s28], [sflag:$0x1] =	stream.indirect.gather @!p0 [hbm4b:s5+s26], $0x80, s24, s26, $0xb8;
	[tilespmem:$0x1F480] =	vst v63  }
0x2e: {  	v4 =	vmov s31;
	s24 =	sadd.s32 $0xC8, s25  }
0x2f: {  	[tilespmem:s14], [sflag:$0x2] =	stream.indirect.gather [hbm4b:s5+s13], $0x80, s24, s13, $0xb8;
	[tilespmem:$0x1F480] =	vst v63  }
0x30: {  	s30 =	sadd.s32 $0x130, s25  }
0x31: {  	[tilespmem:s16], [sflag:$0x2] =	stream.indirect.gather [hbm4b:s5+s15], $0x80, s30, s15, $0xb8;
	[tilespmem:$0x1F480] =	vst v63  }
0x32: {  	s31 =	simm.s32 $0x0;
	v3 =	vld.msk [tilespmem:s25+$0x6400 ss:$0x0], $0xffff  }
0x33: {  	v5 =	vld.idx.msk [tilespmem:v4+s31+$0x0 ss:$0x1], $0xffff;
	_ =	sdelay $0x4  }
0x34: {  	v3 =	vmul.f32 v3, v0;
	v6 =	vbroadcast v5, $0x0  }
0x35: {  	v7 =	vbroadcast v5, $0x1;
	v8 =	vbroadcast v5, $0x2  }
0x36: {  	v9 =	vbroadcast v5, $0x3;
	v10 =	vbroadcast v5, $0x4  }
0x37: {  	v11 =	vbroadcast v5, $0x5;
	v12 =	vbroadcast v5, $0x6  }
0x38: {  	v13 =	vbroadcast v5, $0x7;
	v14 =	vbroadcast v5, $0x8  }
0x39: {  	v15 =	vbroadcast v5, $0x9;
	v54 =	vbroadcast v5, $0xA  }
0x3a: {  	v57 =	vbroadcast v5, $0xC;
	v59 =	vbroadcast v5, $0xD  }
0x3b: {  	v60 =	vbroadcast v5, $0xE;
	v3 =	vsub.f32 v2, v3;
	v6 =	vmul.f32 v6, v1  }
0x3c: {  	v7 =	vmul.f32 v7, v1;
	v8 =	vmul.f32 v8, v1  }
0x3d: {  	v9 =	vmul.f32 v9, v1;
	v10 =	vmul.f32 v10, v1;
	v6 =	vadd.f32 v6, v3  }
0x3e: {  	v11 =	vmul.f32 v11, v1;
	v48 =	vmul.f32 v12, v1;
	v7 =	vadd.f32 v7, v3  }
0x3f: {  	s26 =	simm.s32 $0x19400;
	v49 =	vmul.f32 v13, v1;
	v8 =	vadd.f32 v8, v3;
	v6 =	vmax.f32 v6, $0.0e+00  }
0x40: {  	v51 =	vmul.f32 v15, v1;
	v9 =	vadd.f32 v9, v3;
	v7 =	vmax.f32 v7, $0.0e+00;
	[tilespmem:s26+$0xFFFFFC00] =	vst v6  }
0x41: {  	v50 =	vmul.f32 v14, v1;
	v10 =	vadd.f32 v10, v3;
	v8 =	vmax.f32 v8, $0.0e+00;
	[tilespmem:s26+$0xFFFFFC80] =	vst v7  }
0x42: {  	v52 =	vadd.f32 v48, v3;
	v55 =	vadd.f32 v51, v3;
	v9 =	vmax.f32 v9, $0.0e+00;
	[tilespmem:s26+$0xFFFFFD00] =	vst v8  }
0x43: {  	v6 =	vadd.f32 v11, v3;
	v7 =	vmax.f32 v10, $0.0e+00;
	[tilespmem:s26+$0xFFFFFD80] =	vst v9;
	v10 =	vadd.f32 v50, v3  }
0x44: {  	v53 =	vadd.f32 v49, v3;
	v58 =	vmax.f32 v55, $0.0e+00;
	[tilespmem:s26+$0xFFFFFE00] =	vst v7;
	v7 =	vbroadcast v5, $0xB  }
0x45: {  	[tilespmem:s26+$0x80] =	vst v58;
	v6 =	vmax.f32 v6, $0.0e+00;
	v56 =	vmax.f32 v10, $0.0e+00;
	v10 =	vmul.f32 v57, v1  }
0x46: {  	v8 =	vmax.f32 v52, $0.0e+00;
	v5 =	vbroadcast v5, $0xF;
	[tilespmem:s26+$0xFFFFFE80] =	vst v6;
	v6 =	vmul.f32 v54, v1  }
0x47: {  	v11 =	vmax.f32 v53, $0.0e+00;
	[tilespmem:s26+$0xFFFFFF00] =	vst v8;
	v7 =	vmul.f32 v7, v1;
	v10 =	vadd.f32 v10, v3  }
0x48: {  	[tilespmem:s26+$0xFFFFFF80] =	vst v11;
	v5 =	vmul.f32 v5, v1;
	v6 =	vadd.f32 v6, v3  }
0x49: {  	v61 =	vmul.f32 v59, v1;
	[tilespmem:s26+$0x0] =	vst v56;
	v7 =	vadd.f32 v7, v3;
	v63 =	vmax.f32 v10, $0.0e+00  }
0x4a: {  	v62 =	vmul.f32 v60, v1;
	v5 =	vadd.f32 v5, v3;
	v6 =	vmax.f32 v6, $0.0e+00;
	[tilespmem:s26+$0x200] =	vst v63  }
0x4b: {  	[tilespmem:s26+$0x100] =	vst v6;
	v6 =	vmax.f32 v7, $0.0e+00;
	v7 =	vadd.f32 v61, v3  }
0x4c: {  	v5 =	vmax.f32 v5, $0.0e+00;
	[tilespmem:s26+$0x180] =	vst v6;
	v6 =	vadd.f32 v62, v3  }
0x4d: {  	[tilespmem:s26+$0x380] =	vst v5;
	v7 =	vmax.f32 v7, $0.0e+00  }
0x4e: {  	v6 =	vmax.f32 v6, $0.0e+00;
	[tilespmem:s26+$0x280] =	vst v7  }
0x4f: {  	s29 =	simm.s32 $0x10;
	s28 =	simm.s32 $0x80;
	[tilespmem:s26+$0x300] =	vst v6  }
.LBB2_3:
0x50: {  	p0 =	sne.s32 s28, $0x2C0;
	v5 =	vld.idx.msk [tilespmem:v4+s29+$0x0 ss:$0x1], $0xffff;
	_ =	sdelay $0x5  }
0x51: {  	v6 =	vbroadcast v5, $0x0;
	v7 =	vbroadcast v5, $0x1  }
0x52: {  	v8 =	vbroadcast v5, $0x2;
	v9 =	vbroadcast v5, $0x3  }
0x53: {  	v6 =	vmul.f32 v6, v1;
	v7 =	vmul.f32 v7, v1  }
0x54: {  	v8 =	vmul.f32 v8, v1;
	v9 =	vmul.f32 v9, v1  }
0x55: {  	v10 =	vbroadcast v5, $0x4;
	v6 =	vadd.f32 v6, v3;
	v7 =	vadd.f32 v7, v3  }
0x56: {  	v11 =	vbroadcast v5, $0x5;
	v8 =	vadd.f32 v8, v3;
	v9 =	vadd.f32 v9, v3  }
0x57: {  	s26 =	sadd.s32 $0x800, s26;
	v10 =	vmul.f32 v10, v1;
	v6 =	vmax.f32 v6, $0.0e+00;
	v7 =	vmax.f32 v7, $0.0e+00  }
0x58: {  	[tilespmem:s26+$0xFFFFFC00] =	vst v6;
	v6 =	vmax.f32 v8, $0.0e+00;
	v8 =	vmax.f32 v9, $0.0e+00;
	v9 =	vmul.f32 v11, v1  }
0x59: {  	v11 =	vbroadcast v5, $0x7;
	[tilespmem:s26+$0xFFFFFC80] =	vst v7;
	v7 =	vadd.f32 v10, v3;
	v10 =	vbroadcast v5, $0x6  }
0x5a: {  	v12 =	vbroadcast v5, $0x9;
	[tilespmem:s26+$0xFFFFFD00] =	vst v6;
	v6 =	vadd.f32 v9, v3;
	v9 =	vbroadcast v5, $0x8  }
0x5b: {  	[tilespmem:s26+$0xFFFFFD80] =	vst v8;
	v7 =	vmax.f32 v7, $0.0e+00;
	v8 =	vmul.f32 v10, v1;
	v10 =	vmul.f32 v11, v1  }
0x5c: {  	[tilespmem:s26+$0xFFFFFE00] =	vst v7;
	v6 =	vmax.f32 v6, $0.0e+00;
	v7 =	vmul.f32 v9, v1;
	v9 =	vmul.f32 v12, v1  }
0x5d: {  	[tilespmem:s26+$0xFFFFFE80] =	vst v6;
	v6 =	vadd.f32 v8, v3;
	v8 =	vadd.f32 v10, v3;
	v10 =	vbroadcast v5, $0xA  }
0x5e: {  	v11 =	vbroadcast v5, $0xB;
	v7 =	vadd.f32 v7, v3;
	v9 =	vadd.f32 v9, v3  }
0x5f: {  	v6 =	vmax.f32 v6, $0.0e+00;
	v8 =	vmax.f32 v8, $0.0e+00;
	v10 =	vmul.f32 v10, v1  }
0x60: {  	[tilespmem:s26+$0xFFFFFF00] =	vst v6;
	v6 =	vmax.f32 v7, $0.0e+00;
	v7 =	vmax.f32 v9, $0.0e+00;
	v9 =	vmul.f32 v11, v1  }
0x61: {  	v11 =	vbroadcast v5, $0xD;
	[tilespmem:s26+$0xFFFFFF80] =	vst v8;
	v8 =	vadd.f32 v10, v3;
	v10 =	vbroadcast v5, $0xC  }
0x62: {  	[tilespmem:s26+$0x0] =	vst v6;
	v6 =	vadd.f32 v9, v3;
	v9 =	vbroadcast v5, $0xE;
	v5 =	vbroadcast v5, $0xF  }
0x63: {  	[tilespmem:s26+$0x80] =	vst v7;
	v7 =	vmax.f32 v8, $0.0e+00;
	v8 =	vmul.f32 v10, v1;
	v10 =	vmul.f32 v11, v1  }
0x64: {  	[tilespmem:s26+$0x100] =	vst v7;
	v6 =	vmax.f32 v6, $0.0e+00;
	v7 =	vmul.f32 v9, v1;
	v5 =	vmul.f32 v5, v1  }
0x65: {  	[tilespmem:s26+$0x180] =	vst v6;
	v6 =	vadd.f32 v8, v3;
	v8 =	vadd.f32 v10, v3  }
0x66: {  	v7 =	vadd.f32 v7, v3;
	v5 =	vadd.f32 v5, v3  }
.Ltmp0:
0x67: {  	v6 =	vmax.f32 v6, $0.0e+00;
	v8 =	vmax.f32 v8, $0.0e+00;
	(pc) =	sbr.rel @p0 .LBB2_3-.Ltmp0, $4  }
0x68: {  	[tilespmem:s26+$0x200] =	vst v6;
	v6 =	vmax.f32 v7, $0.0e+00;
	v5 =	vmax.f32 v5, $0.0e+00  }
0x69: {  	[tilespmem:s26+$0x280] =	vst v8  }
0x6a: {  	[tilespmem:s26+$0x300] =	vst v6  }
0x6b: {  	s29 =	sshra.s32 s28, $0x2;
	s28 =	sadd.s32 $0x40, s28;
	[tilespmem:s26+$0x380] =	vst v5  }
0x6c: {  	_ =	sdelay $0x3  }
0x6d: {  	v4 =	vld.idx.msk [tilespmem:v4+s29+$0x0 ss:$0x1], $0xffff;
	_ =	sdelay $0x4  }
0x6e: {  	v5 =	vbroadcast v4, $0x0;
	v6 =	vbroadcast v4, $0x1  }
0x6f: {  	v7 =	vbroadcast v4, $0x2;
	v8 =	vbroadcast v4, $0x3  }
0x70: {  	v9 =	vbroadcast v4, $0x4;
	v10 =	vbroadcast v4, $0x5  }
0x71: {  	v11 =	vbroadcast v4, $0x6;
	v12 =	vbroadcast v4, $0x7  }
0x72: {  	v13 =	vbroadcast v4, $0x8;
	v14 =	vbroadcast v4, $0x9  }
0x73: {  	v57 =	vbroadcast v4, $0xC;
	v58 =	vbroadcast v4, $0xD  }
0x74: {  	v59 =	vbroadcast v4, $0xE;
	v5 =	vmul.f32 v5, v1  }
0x75: {  	v6 =	vmul.f32 v6, v1;
	v7 =	vmul.f32 v7, v1  }
0x76: {  	v8 =	vmul.f32 v8, v1;
	v9 =	vmul.f32 v9, v1;
	v5 =	vadd.f32 v5, v3  }
0x77: {  	v10 =	vmul.f32 v10, v1;
	v51 =	vmul.f32 v11, v1;
	v6 =	vadd.f32 v6, v3  }
0x78: {  	s26 =	sadd.s32 $0x800, s26;
	v52 =	vmul.f32 v12, v1;
	v7 =	vadd.f32 v7, v3;
	v5 =	vmax.f32 v5, $0.0e+00  }
0x79: {  	v53 =	vmul.f32 v13, v1;
	v8 =	vadd.f32 v8, v3;
	v6 =	vmax.f32 v6, $0.0e+00;
	[tilespmem:s26+$0xFFFFFC00] =	vst v5  }
0x7a: {  	v54 =	vmul.f32 v14, v1;
	v9 =	vadd.f32 v9, v3;
	v7 =	vmax.f32 v7, $0.0e+00;
	[tilespmem:s26+$0xFFFFFC80] =	vst v6  }
0x7b: {  	v55 =	vadd.f32 v52, v3;
	v8 =	vmax.f32 v8, $0.0e+00;
	v5 =	vadd.f32 v10, v3;
	[tilespmem:s26+$0xFFFFFD00] =	vst v7  }
0x7c: {  	v6 =	vmax.f32 v9, $0.0e+00;
	v7 =	vadd.f32 v51, v3;
	[tilespmem:s26+$0xFFFFFD80] =	vst v8;
	v8 =	vbroadcast v4, $0xA  }
0x7d: {  	[tilespmem:s26+$0xFFFFFE00] =	vst v6;
	v6 =	vbroadcast v4, $0xB;
	v4 =	vbroadcast v4, $0xF;
	v5 =	vmax.f32 v5, $0.0e+00  }
0x7e: {  	v9 =	vadd.f32 v53, v3;
	v10 =	vmax.f32 v55, $0.0e+00;
	[tilespmem:s26+$0xFFFFFE80] =	vst v5;
	v5 =	vmul.f32 v8, v1  }
0x7f: {  	v56 =	vadd.f32 v54, v3;
	[tilespmem:s26+$0xFFFFFF80] =	vst v10;
	v7 =	vmax.f32 v7, $0.0e+00;
	v4 =	vmul.f32 v4, v1  }
0x80: {  	v8 =	vmax.f32 v9, $0.0e+00;
	[tilespmem:s26+$0xFFFFFF00] =	vst v7;
	v6 =	vmul.f32 v6, v1;
	v5 =	vadd.f32 v5, v3  }
0x81: {  	v7 =	vmax.f32 v56, $0.0e+00;
	v9 =	vmul.f32 v57, v1;
	[tilespmem:s26+$0x0] =	vst v8;
	v4 =	vadd.f32 v4, v3  }
0x82: {  	v8 =	vmul.f32 v58, v1;
	[tilespmem:s26+$0x80] =	vst v7;
	v6 =	vadd.f32 v6, v3;
	v5 =	vmax.f32 v5, $0.0e+00  }
0x83: {  	v7 =	vmul.f32 v59, v1;
	v9 =	vadd.f32 v9, v3;
	v4 =	vmax.f32 v4, $0.0e+00;
	[tilespmem:s26+$0x100] =	vst v5  }
0x84: {  	v5 =	vmax.f32 v6, $0.0e+00;
	v6 =	vadd.f32 v8, v3;
	[tilespmem:s26+$0x380] =	vst v4  }
0x85: {  	[tilespmem:s26+$0x180] =	vst v5;
	v5 =	vadd.f32 v7, v3;
	v7 =	vmax.f32 v9, $0.0e+00  }
0x86: {  	v6 =	vmax.f32 v6, $0.0e+00;
	[tilespmem:s26+$0x200] =	vst v7  }
0x87: {  	v5 =	vmax.f32 v5, $0.0e+00;
	[tilespmem:s26+$0x280] =	vst v6  }
0x88: {  	[tilespmem:s26+$0x300] =	vst v5  }
0x89: {  	v4 =	vld [tilespmem:s25+$0x64B8];
	_ =	sdelay $0x4  }
0x8a: {  	v5 =	vbroadcast v4, $0x8;
	v6 =	vbroadcast v4, $0x9  }
0x8b: {  	v7 =	vbroadcast v4, $0xA;
	v8 =	vbroadcast v4, $0xB  }
0x8c: {  	v60 =	vbroadcast v4, $0xC;
	v5 =	vmul.f32 v5, v1  }
0x8d: {  	v61 =	vbroadcast v4, $0xD;
	v6 =	vmul.f32 v6, v1  }
0x8e: {  	v62 =	vbroadcast v4, $0xE;
	v7 =	vmul.f32 v7, v1;
	v5 =	vadd.f32 v5, v3  }
0x8f: {  	v4 =	vbroadcast v4, $0xF;
	v8 =	vmul.f32 v8, v1;
	v6 =	vadd.f32 v6, v3  }
0x90: {  	v9 =	vmul.f32 v60, v1;
	v7 =	vadd.f32 v7, v3;
	v5 =	vmax.f32 v5, $0.0e+00  }
0x91: {  	v6 =	vmax.f32 v6, $0.0e+00;
	[tilespmem:$0x1F000] =	vst v5;
	v5 =	vadd.f32 v8, v3;
	v8 =	vmul.f32 v61, v1  }
0x92: {  	v63 =	vmul.f32 v62, v1;
	[tilespmem:$0x1F080] =	vst v6;
	v6 =	vmax.f32 v7, $0.0e+00;
	v7 =	vadd.f32 v9, v3  }
0x93: {  	v4 =	vmul.f32 v4, v1;
	[tilespmem:$0x1F100] =	vst v6;
	v5 =	vmax.f32 v5, $0.0e+00;
	v6 =	vadd.f32 v8, v3  }
0x94: {  	[tilespmem:$0x1F180] =	vst v5;
	v5 =	vmax.f32 v7, $0.0e+00;
	v7 =	vadd.f32 v63, v3  }
0x95: {  	v3 =	vadd.f32 v4, v3;
	[tilespmem:$0x1F200] =	vst v5;
	v5 =	vmax.f32 v6, $0.0e+00  }
0x96: {  	[tilespmem:$0x1F280] =	vst v5;
	v4 =	vmax.f32 v7, $0.0e+00  }
0x97: {  	v3 =	vmax.f32 v3, $0.0e+00;
	[tilespmem:$0x1F300] =	vst v4  }
0x98: {  	[tilespmem:$0x1F380] =	vst v3  }
0x99: {  	_ =	swait.ge [sflag:s17], $0x3400  }
0x9a: {  	[sflag:s17] =	ssyncset.done $0x0  }
0x9b: {  	[sflag:s17] =	ssyncadd.s32 $0xFFFFCC00  }
0x9c: {  	_ =	swait.ge [sflag:s17], $0x3000  }
0x9d: {  	[sflag:s17] =	ssyncset.done $0x0  }
0x9e: {  	s26 =	simm.s32 $0x0;
	[sflag:s17] =	ssyncadd.s32 $0xFFFFD000  }
0x9f: {  	v6 =	vld [tilespmem:s26+$0x19380]  }
0xa0: {  	v7 =	vld [tilespmem:s26+$0x19000]  }
0xa1: {  	v8 =	vld [tilespmem:s26+$0x19080]  }
0xa2: {  	v5 =	vld [tilespmem:s26+$0x19100]  }
0xa3: {  	v3 =	vld [tilespmem:s26+$0x19180]  }
0xa4: {  	v4 =	vld [tilespmem:s26+$0x19200];
	[tilespmem:s26+$0xCBF0] =	vst v6  }
0xa5: {  	[tilespmem:s26+$0xC870] =	vst v7;
	v6 =	vld [tilespmem:s26+$0x19280]  }
0xa6: {  	s28 =	simm.s32 $0x400;
	s29 =	simm.s32 $0x2000;
	[tilespmem:s26+$0xC8F0] =	vst v8;
	v7 =	vld [tilespmem:s26+$0x19300]  }
.LBB2_5:
0xa7: {  	p0 =	sne.s32 s29, $0x18000;
	v8 =	vld [tilespmem:s28+$0x19380];
	[tilespmem:s26+$0xC970] =	vst v5  }
0xa8: {  	v9 =	vld [tilespmem:s28+$0x19000];
	[tilespmem:s26+$0xC9F0] =	vst v3  }
0xa9: {  	v10 =	vld [tilespmem:s28+$0x19080];
	[tilespmem:s26+$0xCA70] =	vst v4  }
.Ltmp1:
0xaa: {  	v5 =	vld [tilespmem:s28+$0x19100];
	[tilespmem:s26+$0xCAF0] =	vst v6;
	(pc) =	sbr.rel @p0 .LBB2_5-.Ltmp1, $4  }
0xab: {  	v3 =	vld [tilespmem:s28+$0x19180];
	[tilespmem:s26+$0xCB70] =	vst v7;
	s26 =	smov.u32 s28  }
0xac: {  	v4 =	vld [tilespmem:s26+$0x19200];
	[tilespmem:s26+$0xCBF0] =	vst v8  }
0xad: {  	[tilespmem:s26+$0xC870] =	vst v9;
	v6 =	vld [tilespmem:s26+$0x19280]  }
0xae: {  	s28 =	sshra.s32 s29, $0x2;
	s29 =	sadd.s32 $0x1000, s29;
	[tilespmem:s26+$0xC8F0] =	vst v10;
	v7 =	vld [tilespmem:s26+$0x19300]  }
0xaf: {  	v8 =	vld [tilespmem:s28+$0x19380];
	[tilespmem:s26+$0xC970] =	vst v5  }
0xb0: {  	v5 =	vld [tilespmem:s28+$0x19000];
	[tilespmem:s26+$0xC9F0] =	vst v3  }
0xb1: {  	v3 =	vld [tilespmem:s28+$0x19080];
	[tilespmem:s26+$0xCA70] =	vst v4  }
0xb2: {  	v4 =	vld [tilespmem:s28+$0x19100];
	[tilespmem:s26+$0xCAF0] =	vst v6  }
0xb3: {  	v6 =	vld [tilespmem:s28+$0x19180];
	[tilespmem:s26+$0xCB70] =	vst v7  }
0xb4: {  	v7 =	vld [tilespmem:s28+$0x19200];
	[tilespmem:s28+$0xCBF0] =	vst v8  }
0xb5: {  	[tilespmem:s28+$0xC870] =	vst v5;
	v5 =	vld [tilespmem:s28+$0x19280]  }
0xb6: {  	[tilespmem:s28+$0xC8F0] =	vst v3;
	v3 =	vld [tilespmem:s28+$0x19300]  }
0xb7: {  	[tilespmem:s28+$0xC970] =	vst v4  }
0xb8: {  	s31 =	sadd.s32 $0x6400, s24;
	[tilespmem:s28+$0xC9F0] =	vst v6  }
0xb9: {  	s29 =	sadd.s32 s4, s25;
	v4 =	vmov s31;
	[tilespmem:s28+$0xCA70] =	vst v7  }
0xba: {  	s30 =	sshll.u32 s29, $0x4;
	[tilespmem:s28+$0xCAF0] =	vst v5  }
0xbb: {  	s26 =	sadd.s32 s2, s30;
	[tilespmem:s28+$0xCB70] =	vst v3;
	s28 =	simm.s32 $0x0  }
0xbc: {  	[hbm4b:s26+s28] =	stream.linear.scatter [tilespmem:s18], [sflag:$0x3], $0x6400, $0x38;
	[tilespmem:$0x1F480] =	vst v63  }
0xbd: {  	s31 =	simm.s32 $0x0;
	v3 =	vld.msk [tilespmem:s24+$0x6400 ss:$0x0], $0xffff  }
0xbe: {  	v5 =	vld.idx.msk [tilespmem:v4+s31+$0x0 ss:$0x1], $0xffff;
	_ =	sdelay $0x4  }
0xbf: {  	v3 =	vmul.f32 v3, v0;
	v6 =	vbroadcast v5, $0x0  }
0xc0: {  	v7 =	vbroadcast v5, $0x1;
	v47 =	vbroadcast v5, $0x2  }
0xc1: {  	v9 =	vbroadcast v5, $0x3;
	v10 =	vbroadcast v5, $0x4  }
0xc2: {  	v11 =	vbroadcast v5, $0x5;
	v12 =	vbroadcast v5, $0x6  }
0xc3: {  	v13 =	vbroadcast v5, $0x7;
	v14 =	vbroadcast v5, $0x8  }
0xc4: {  	v15 =	vbroadcast v5, $0x9;
	v54 =	vbroadcast v5, $0xA  }
0xc5: {  	v57 =	vbroadcast v5, $0xC;
	v59 =	vbroadcast v5, $0xD  }
0xc6: {  	v60 =	vbroadcast v5, $0xE;
	v3 =	vsub.f32 v2, v3;
	v6 =	vmul.f32 v6, v1  }
0xc7: {  	v7 =	vmul.f32 v7, v1;
	v8 =	vmul.f32 v47, v1  }
0xc8: {  	v9 =	vmul.f32 v9, v1;
	v10 =	vmul.f32 v10, v1;
	v6 =	vadd.f32 v6, v3  }
0xc9: {  	v11 =	vmul.f32 v11, v1;
	v48 =	vmul.f32 v12, v1;
	v7 =	vadd.f32 v7, v3  }
0xca: {  	s26 =	simm.s32 $0x19400;
	v49 =	vmul.f32 v13, v1;
	v8 =	vadd.f32 v8, v3;
	v6 =	vmax.f32 v6, $0.0e+00  }
0xcb: {  	v51 =	vmul.f32 v15, v1;
	v9 =	vadd.f32 v9, v3;
	v7 =	vmax.f32 v7, $0.0e+00;
	[tilespmem:s26+$0xFFFFFC00] =	vst v6  }
0xcc: {  	v50 =	vmul.f32 v14, v1;
	v10 =	vadd.f32 v10, v3;
	v8 =	vmax.f32 v8, $0.0e+00;
	[tilespmem:s26+$0xFFFFFC80] =	vst v7  }
0xcd: {  	v52 =	vadd.f32 v48, v3;
	v55 =	vadd.f32 v51, v3;
	v9 =	vmax.f32 v9, $0.0e+00;
	[tilespmem:s26+$0xFFFFFD00] =	vst v8  }
0xce: {  	v6 =	vadd.f32 v11, v3;
	v7 =	vmax.f32 v10, $0.0e+00;
	[tilespmem:s26+$0xFFFFFD80] =	vst v9;
	v10 =	vadd.f32 v50, v3  }
0xcf: {  	v53 =	vadd.f32 v49, v3;
	v58 =	vmax.f32 v55, $0.0e+00;
	[tilespmem:s26+$0xFFFFFE00] =	vst v7;
	v7 =	vbroadcast v5, $0xB  }
0xd0: {  	[tilespmem:s26+$0x80] =	vst v58;
	v6 =	vmax.f32 v6, $0.0e+00;
	v56 =	vmax.f32 v10, $0.0e+00;
	v10 =	vmul.f32 v57, v1  }
0xd1: {  	v8 =	vmax.f32 v52, $0.0e+00;
	v5 =	vbroadcast v5, $0xF;
	[tilespmem:s26+$0xFFFFFE80] =	vst v6;
	v6 =	vmul.f32 v54, v1  }
0xd2: {  	v11 =	vmax.f32 v53, $0.0e+00;
	[tilespmem:s26+$0xFFFFFF00] =	vst v8;
	v7 =	vmul.f32 v7, v1;
	v10 =	vadd.f32 v10, v3  }
0xd3: {  	[tilespmem:s26+$0xFFFFFF80] =	vst v11;
	v5 =	vmul.f32 v5, v1;
	v6 =	vadd.f32 v6, v3  }
0xd4: {  	v61 =	vmul.f32 v59, v1;
	[tilespmem:s26+$0x0] =	vst v56;
	v7 =	vadd.f32 v7, v3;
	v63 =	vmax.f32 v10, $0.0e+00  }
0xd5: {  	v62 =	vmul.f32 v60, v1;
	v5 =	vadd.f32 v5, v3;
	v6 =	vmax.f32 v6, $0.0e+00;
	[tilespmem:s26+$0x200] =	vst v63  }
0xd6: {  	[tilespmem:s26+$0x100] =	vst v6;
	v6 =	vmax.f32 v7, $0.0e+00;
	v7 =	vadd.f32 v61, v3  }
0xd7: {  	v5 =	vmax.f32 v5, $0.0e+00;
	[tilespmem:s26+$0x180] =	vst v6;
	v6 =	vadd.f32 v62, v3  }
0xd8: {  	[tilespmem:s26+$0x380] =	vst v5;
	v7 =	vmax.f32 v7, $0.0e+00  }
0xd9: {  	v6 =	vmax.f32 v6, $0.0e+00;
	[tilespmem:s26+$0x280] =	vst v7  }
0xda: {  	s29 =	simm.s32 $0x10;
	s28 =	simm.s32 $0x80;
	[tilespmem:s26+$0x300] =	vst v6  }
.LBB2_7:
0xdb: {  	p0 =	sne.s32 s28, $0x2C0;
	v5 =	vld.idx.msk [tilespmem:v4+s29+$0x0 ss:$0x1], $0xffff;
	_ =	sdelay $0x5  }
0xdc: {  	v6 =	vbroadcast v5, $0x0;
	v7 =	vbroadcast v5, $0x1  }
0xdd: {  	v8 =	vbroadcast v5, $0x2;
	v9 =	vbroadcast v5, $0x3  }
0xde: {  	v6 =	vmul.f32 v6, v1;
	v7 =	vmul.f32 v7, v1  }
0xdf: {  	v8 =	vmul.f32 v8, v1;
	v9 =	vmul.f32 v9, v1  }
0xe0: {  	v10 =	vbroadcast v5, $0x4;
	v6 =	vadd.f32 v6, v3;
	v7 =	vadd.f32 v7, v3  }
0xe1: {  	v11 =	vbroadcast v5, $0x5;
	v8 =	vadd.f32 v8, v3;
	v9 =	vadd.f32 v9, v3  }
0xe2: {  	s26 =	sadd.s32 $0x800, s26;
	v10 =	vmul.f32 v10, v1;
	v6 =	vmax.f32 v6, $0.0e+00;
	v7 =	vmax.f32 v7, $0.0e+00  }
0xe3: {  	[tilespmem:s26+$0xFFFFFC00] =	vst v6;
	v6 =	vmax.f32 v8, $0.0e+00;
	v8 =	vmax.f32 v9, $0.0e+00;
	v9 =	vmul.f32 v11, v1  }
0xe4: {  	v11 =	vbroadcast v5, $0x7;
	[tilespmem:s26+$0xFFFFFC80] =	vst v7;
	v7 =	vadd.f32 v10, v3;
	v10 =	vbroadcast v5, $0x6  }
0xe5: {  	v12 =	vbroadcast v5, $0x9;
	[tilespmem:s26+$0xFFFFFD00] =	vst v6;
	v6 =	vadd.f32 v9, v3;
	v9 =	vbroadcast v5, $0x8  }
0xe6: {  	[tilespmem:s26+$0xFFFFFD80] =	vst v8;
	v7 =	vmax.f32 v7, $0.0e+00;
	v8 =	vmul.f32 v10, v1;
	v10 =	vmul.f32 v11, v1  }
0xe7: {  	[tilespmem:s26+$0xFFFFFE00] =	vst v7;
	v6 =	vmax.f32 v6, $0.0e+00;
	v7 =	vmul.f32 v9, v1;
	v9 =	vmul.f32 v12, v1  }
0xe8: {  	[tilespmem:s26+$0xFFFFFE80] =	vst v6;
	v6 =	vadd.f32 v8, v3;
	v8 =	vadd.f32 v10, v3;
	v10 =	vbroadcast v5, $0xA  }
0xe9: {  	v11 =	vbroadcast v5, $0xB;
	v7 =	vadd.f32 v7, v3;
	v9 =	vadd.f32 v9, v3  }
0xea: {  	v6 =	vmax.f32 v6, $0.0e+00;
	v8 =	vmax.f32 v8, $0.0e+00;
	v10 =	vmul.f32 v10, v1  }
0xeb: {  	[tilespmem:s26+$0xFFFFFF00] =	vst v6;
	v6 =	vmax.f32 v7, $0.0e+00;
	v7 =	vmax.f32 v9, $0.0e+00;
	v9 =	vmul.f32 v11, v1  }
0xec: {  	v11 =	vbroadcast v5, $0xD;
	[tilespmem:s26+$0xFFFFFF80] =	vst v8;
	v8 =	vadd.f32 v10, v3;
	v10 =	vbroadcast v5, $0xC  }
0xed: {  	[tilespmem:s26+$0x0] =	vst v6;
	v6 =	vadd.f32 v9, v3;
	v9 =	vbroadcast v5, $0xE;
	v5 =	vbroadcast v5, $0xF  }
0xee: {  	[tilespmem:s26+$0x80] =	vst v7;
	v7 =	vmax.f32 v8, $0.0e+00;
	v8 =	vmul.f32 v10, v1;
	v10 =	vmul.f32 v11, v1  }
0xef: {  	[tilespmem:s26+$0x100] =	vst v7;
	v6 =	vmax.f32 v6, $0.0e+00;
	v7 =	vmul.f32 v9, v1;
	v5 =	vmul.f32 v5, v1  }
0xf0: {  	[tilespmem:s26+$0x180] =	vst v6;
	v6 =	vadd.f32 v8, v3;
	v8 =	vadd.f32 v10, v3  }
0xf1: {  	v7 =	vadd.f32 v7, v3;
	v5 =	vadd.f32 v5, v3  }
.Ltmp2:
0xf2: {  	v6 =	vmax.f32 v6, $0.0e+00;
	v8 =	vmax.f32 v8, $0.0e+00;
	(pc) =	sbr.rel @p0 .LBB2_7-.Ltmp2, $4  }
0xf3: {  	[tilespmem:s26+$0x200] =	vst v6;
	v6 =	vmax.f32 v7, $0.0e+00;
	v5 =	vmax.f32 v5, $0.0e+00  }
0xf4: {  	[tilespmem:s26+$0x280] =	vst v8  }
0xf5: {  	[tilespmem:s26+$0x300] =	vst v6  }
0xf6: {  	s29 =	sshra.s32 s28, $0x2;
	s28 =	sadd.s32 $0x40, s28;
	[tilespmem:s26+$0x380] =	vst v5  }
0xf7: {  	_ =	sdelay $0x3  }
0xf8: {  	v4 =	vld.idx.msk [tilespmem:v4+s29+$0x0 ss:$0x1], $0xffff;
	_ =	sdelay $0x4  }
0xf9: {  	v5 =	vbroadcast v4, $0x0;
	v6 =	vbroadcast v4, $0x1  }
0xfa: {  	v7 =	vbroadcast v4, $0x2;
	v8 =	vbroadcast v4, $0x3  }
0xfb: {  	v9 =	vbroadcast v4, $0x4;
	v10 =	vbroadcast v4, $0x5  }
0xfc: {  	v11 =	vbroadcast v4, $0x6;
	v12 =	vbroadcast v4, $0x7  }
0xfd: {  	v13 =	vbroadcast v4, $0x8;
	v14 =	vbroadcast v4, $0x9  }
0xfe: {  	v57 =	vbroadcast v4, $0xC;
	v58 =	vbroadcast v4, $0xD  }
0xff: {  	v59 =	vbroadcast v4, $0xE;
	v5 =	vmul.f32 v5, v1  }
0x100: {  	v6 =	vmul.f32 v6, v1;
	v7 =	vmul.f32 v7, v1  }
0x101: {  	v8 =	vmul.f32 v8, v1;
	v9 =	vmul.f32 v9, v1;
	v5 =	vadd.f32 v5, v3  }
0x102: {  	v10 =	vmul.f32 v10, v1;
	v51 =	vmul.f32 v11, v1;
	v6 =	vadd.f32 v6, v3  }
0x103: {  	s26 =	sadd.s32 $0x800, s26;
	v52 =	vmul.f32 v12, v1;
	v7 =	vadd.f32 v7, v3;
	v5 =	vmax.f32 v5, $0.0e+00  }
0x104: {  	v53 =	vmul.f32 v13, v1;
	v8 =	vadd.f32 v8, v3;
	v6 =	vmax.f32 v6, $0.0e+00;
	[tilespmem:s26+$0xFFFFFC00] =	vst v5  }
0x105: {  	v54 =	vmul.f32 v14, v1;
	v9 =	vadd.f32 v9, v3;
	v7 =	vmax.f32 v7, $0.0e+00;
	[tilespmem:s26+$0xFFFFFC80] =	vst v6  }
0x106: {  	v55 =	vadd.f32 v52, v3;
	v8 =	vmax.f32 v8, $0.0e+00;
	v5 =	vadd.f32 v10, v3;
	[tilespmem:s26+$0xFFFFFD00] =	vst v7  }
0x107: {  	v6 =	vmax.f32 v9, $0.0e+00;
	v7 =	vadd.f32 v51, v3;
	[tilespmem:s26+$0xFFFFFD80] =	vst v8;
	v8 =	vbroadcast v4, $0xA  }
0x108: {  	[tilespmem:s26+$0xFFFFFE00] =	vst v6;
	v6 =	vbroadcast v4, $0xB;
	v4 =	vbroadcast v4, $0xF;
	v5 =	vmax.f32 v5, $0.0e+00  }
0x109: {  	v9 =	vadd.f32 v53, v3;
	v10 =	vmax.f32 v55, $0.0e+00;
	[tilespmem:s26+$0xFFFFFE80] =	vst v5;
	v5 =	vmul.f32 v8, v1  }
0x10a: {  	v56 =	vadd.f32 v54, v3;
	[tilespmem:s26+$0xFFFFFF80] =	vst v10;
	v7 =	vmax.f32 v7, $0.0e+00;
	v4 =	vmul.f32 v4, v1  }
0x10b: {  	v8 =	vmax.f32 v9, $0.0e+00;
	[tilespmem:s26+$0xFFFFFF00] =	vst v7;
	v6 =	vmul.f32 v6, v1;
	v5 =	vadd.f32 v5, v3  }
0x10c: {  	v7 =	vmax.f32 v56, $0.0e+00;
	v9 =	vmul.f32 v57, v1;
	[tilespmem:s26+$0x0] =	vst v8;
	v4 =	vadd.f32 v4, v3  }
0x10d: {  	v8 =	vmul.f32 v58, v1;
	[tilespmem:s26+$0x80] =	vst v7;
	v6 =	vadd.f32 v6, v3;
	v5 =	vmax.f32 v5, $0.0e+00  }
0x10e: {  	v7 =	vmul.f32 v59, v1;
	v9 =	vadd.f32 v9, v3;
	v4 =	vmax.f32 v4, $0.0e+00;
	[tilespmem:s26+$0x100] =	vst v5  }
0x10f: {  	v5 =	vmax.f32 v6, $0.0e+00;
	v6 =	vadd.f32 v8, v3;
	[tilespmem:s26+$0x380] =	vst v4  }
0x110: {  	[tilespmem:s26+$0x180] =	vst v5;
	v5 =	vadd.f32 v7, v3;
	v7 =	vmax.f32 v9, $0.0e+00  }
0x111: {  	v6 =	vmax.f32 v6, $0.0e+00;
	[tilespmem:s26+$0x200] =	vst v7  }
0x112: {  	v5 =	vmax.f32 v5, $0.0e+00;
	[tilespmem:s26+$0x280] =	vst v6  }
0x113: {  	s25 =	sand.u32 $0x7FF0, s25;
	[tilespmem:s26+$0x300] =	vst v5  }
0x114: {  	v4 =	vld [tilespmem:s25+$0x6580];
	_ =	sdelay $0x4  }
0x115: {  	v5 =	vbroadcast v4, $0x8;
	v6 =	vbroadcast v4, $0x9  }
0x116: {  	v7 =	vbroadcast v4, $0xA;
	v8 =	vbroadcast v4, $0xB  }
0x117: {  	v60 =	vbroadcast v4, $0xC;
	v5 =	vmul.f32 v5, v1  }
0x118: {  	v61 =	vbroadcast v4, $0xD;
	v6 =	vmul.f32 v6, v1  }
0x119: {  	v62 =	vbroadcast v4, $0xE;
	v7 =	vmul.f32 v7, v1;
	v5 =	vadd.f32 v5, v3  }
0x11a: {  	v4 =	vbroadcast v4, $0xF;
	v8 =	vmul.f32 v8, v1;
	v6 =	vadd.f32 v6, v3  }
0x11b: {  	v9 =	vmul.f32 v60, v1;
	v7 =	vadd.f32 v7, v3;
	v5 =	vmax.f32 v5, $0.0e+00  }
0x11c: {  	v6 =	vmax.f32 v6, $0.0e+00;
	[tilespmem:$0x1F000] =	vst v5;
	v5 =	vadd.f32 v8, v3;
	v8 =	vmul.f32 v61, v1  }
0x11d: {  	v63 =	vmul.f32 v62, v1;
	[tilespmem:$0x1F080] =	vst v6;
	v6 =	vmax.f32 v7, $0.0e+00;
	v7 =	vadd.f32 v9, v3  }
0x11e: {  	v4 =	vmul.f32 v4, v1;
	[tilespmem:$0x1F100] =	vst v6;
	v5 =	vmax.f32 v5, $0.0e+00;
	v6 =	vadd.f32 v8, v3  }
0x11f: {  	[tilespmem:$0x1F180] =	vst v5;
	v5 =	vmax.f32 v7, $0.0e+00;
	v7 =	vadd.f32 v63, v3  }
0x120: {  	v3 =	vadd.f32 v4, v3;
	[tilespmem:$0x1F200] =	vst v5;
	v5 =	vmax.f32 v6, $0.0e+00  }
0x121: {  	[tilespmem:$0x1F280] =	vst v5;
	v4 =	vmax.f32 v7, $0.0e+00  }
0x122: {  	v3 =	vmax.f32 v3, $0.0e+00;
	[tilespmem:$0x1F300] =	vst v4  }
0x123: {  	[tilespmem:$0x1F380] =	vst v3  }
0x124: {  	_ =	swait.ge [sflag:s19], $0x3400  }
0x125: {  	[sflag:s19] =	ssyncset.done $0x0  }
0x126: {  	[sflag:s19] =	ssyncadd.s32 $0xFFFFCC00  }
0x127: {  	_ =	swait.ge [sflag:s19], $0x3000  }
0x128: {  	[sflag:s19] =	ssyncset.done $0x0  }
0x129: {  	s25 =	simm.s32 $0x0;
	[sflag:s19] =	ssyncadd.s32 $0xFFFFD000  }
0x12a: {  	v6 =	vld [tilespmem:s25+$0x19380]  }
0x12b: {  	v7 =	vld [tilespmem:s25+$0x19000]  }
0x12c: {  	v8 =	vld [tilespmem:s25+$0x19080]  }
0x12d: {  	v5 =	vld [tilespmem:s25+$0x19100]  }
0x12e: {  	v3 =	vld [tilespmem:s25+$0x19180]  }
0x12f: {  	v4 =	vld [tilespmem:s25+$0x19200];
	[tilespmem:s25+$0x12FF0] =	vst v6  }
0x130: {  	[tilespmem:s25+$0x12C70] =	vst v7;
	v6 =	vld [tilespmem:s25+$0x19280]  }
0x131: {  	s28 =	simm.s32 $0x2000;
	s26 =	simm.s32 $0x400;
	[tilespmem:s25+$0x12CF0] =	vst v8;
	v7 =	vld [tilespmem:s25+$0x19300]  }
.LBB2_9:
0x132: {  	p0 =	sne.s32 s28, $0x18000;
	v8 =	vld [tilespmem:s26+$0x19380];
	[tilespmem:s25+$0x12D70] =	vst v5  }
0x133: {  	v9 =	vld [tilespmem:s26+$0x19000];
	[tilespmem:s25+$0x12DF0] =	vst v3  }
0x134: {  	v10 =	vld [tilespmem:s26+$0x19080];
	[tilespmem:s25+$0x12E70] =	vst v4  }
.Ltmp3:
0x135: {  	v5 =	vld [tilespmem:s26+$0x19100];
	[tilespmem:s25+$0x12EF0] =	vst v6;
	(pc) =	sbr.rel @p0 .LBB2_9-.Ltmp3, $4  }
0x136: {  	v3 =	vld [tilespmem:s26+$0x19180];
	[tilespmem:s25+$0x12F70] =	vst v7;
	s25 =	smov.u32 s26  }
0x137: {  	v4 =	vld [tilespmem:s25+$0x19200];
	[tilespmem:s25+$0x12FF0] =	vst v8  }
0x138: {  	[tilespmem:s25+$0x12C70] =	vst v9;
	v6 =	vld [tilespmem:s25+$0x19280]  }
0x139: {  	s26 =	sshra.s32 s28, $0x2;
	s28 =	sadd.s32 $0x1000, s28;
	[tilespmem:s25+$0x12CF0] =	vst v10;
	v7 =	vld [tilespmem:s25+$0x19300]  }
0x13a: {  	v8 =	vld [tilespmem:s26+$0x19380];
	[tilespmem:s25+$0x12D70] =	vst v5  }
0x13b: {  	v5 =	vld [tilespmem:s26+$0x19000];
	[tilespmem:s25+$0x12DF0] =	vst v3  }
0x13c: {  	v3 =	vld [tilespmem:s26+$0x19080];
	[tilespmem:s25+$0x12E70] =	vst v4  }
0x13d: {  	v4 =	vld [tilespmem:s26+$0x19100];
	[tilespmem:s25+$0x12EF0] =	vst v6  }
0x13e: {  	v6 =	vld [tilespmem:s26+$0x19180];
	[tilespmem:s25+$0x12F70] =	vst v7  }
0x13f: {  	v7 =	vld [tilespmem:s26+$0x19200];
	[tilespmem:s26+$0x12FF0] =	vst v8  }
0x140: {  	v63 =	vld [tilespmem:s26+$0x19280];
	[tilespmem:s26+$0x12C70] =	vst v5  }
0x141: {  	s23 =	sadd.s32 $0x1, s23;
	[tilespmem:s26+$0x12CF0] =	vst v3;
	v3 =	vld [tilespmem:s26+$0x19300]  }
0x142: {  	p0 =	sne.s32 s23, $0x40;
	[tilespmem:s26+$0x12D70] =	vst v4  }
.Ltmp4:
0x143: {  	[tilespmem:s26+$0x12DF0] =	vst v6;
	(pc) =	sbr.rel @p0 .LBB2_2-.Ltmp4, $4  }
0x144: {  	s24 =	sadd.s32 s4, s24;
	[tilespmem:s26+$0x12E70] =	vst v7  }
0x145: {  	s24 =	sshll.u32 s24, $0x4;
	[tilespmem:s26+$0x12EF0] =	vst v63  }
0x146: {  	s24 =	sadd.s32 s2, s24;
	[tilespmem:s26+$0x12F70] =	vst v3  }
0x147: {  	[hbm4b:s24+s3] =	stream.linear.scatter [tilespmem:s14], [sflag:$0x4], $0x6400, $0x38;
	[tilespmem:$0x1F480] =	vst v63  }
0x148: {  	s22 =	sadd.s32 $0x1, s22  }
0x149: {  	_ =	swait.ge [sflag:s20], $0x6400;
	p0 =	sne.s32 s22, s9  }
.Ltmp5:
0x14a: {  	[sflag:s20] =	ssyncset.done $0x0;
	(pc) =	sbr.rel @p0 .LBB2_1-.Ltmp5, $4  }
0x14b: {  	[sflag:s20] =	ssyncadd.s32 $0xFFFF9C00  }
0x14c: {  	_ =	swait.ge [sflag:s21], $0x6400  }
0x14d: {  	[sflag:s21] =	ssyncset.done $0x0  }
0x14e: {  	[sflag:s21] =	ssyncadd.s32 $0xFFFF9C00  }
0x14f: {  	_ =	sfence.sel $0x180000  }
0x150: {  	[bflag:$0x0] =	sbarrier.arrive $0xFFFF  }
0x151: {  	p0 =	sne.s32 s0, $0x0;
	_ =	strace $0x90000047  }
0x152: {  	s0 =	sadd.s32 @!p0 $0x100000, s1;
	[bflag:$0x2] =	sbarrier.arrive $0xFFFF  }
0x153: {  	[sflag:s0] =	ssyncadd.tile.s32 @!p0 $0x1;
	_ =	shalt  }
.Lfunc_end2:
_tile_overlayer_lowered:
.L_overlay_start_2:
0x154: {  	(tag) =	ssettag $0x2  }
0x155: {  	s0 =	rddreg [dreg:$0x0];
	s2 =	stileid.u32  }
0x156: {  	s1 =	rddreg [dreg:$0x1];
	p0 =	sne.s32 s2, $0x0  }
0x157: {  	s3 =	rddreg [dreg:$0x2];
	[bflag:$0x3] =	sbarrier.arrive $0xFFFF;
	s2 =	simm.s32 @!p0 $0x1C05  }
0x158: {  	[timem:s3], [sflag:s2] =	dma.local @!p0 [hbm:s0], s1  }
0x159: {  	s0 =	simm.s32 @!p0 $0x5  }
0x15a: {  	_ =	swait.ge @!p0 [sflag:s0], s1  }
0x15b: {  	s1 =	ssub.s32 @!p0 $0x0, s1;
	[sflag:s0] =	ssyncset.done @!p0 $0x0  }
0x15c: {  	[sflag:s0] =	ssyncadd.s32 @!p0 s1  }
0x15d: {  	[bflag:$0x3] =	sbarrier.arrive $0xFFFF  }
0x15e: {  	_ =	shalt  }

</sc_bundles>
